<compile_context>
chip_gen: v7x
topology: tpu7x:2x2x1
jax: 0.10.2.dev20260603
libtpu: 0.0.44.dev20260713+nightly
codegen_flags: <defaults>
</compile_context>

<pallas_src>
import functools

import jax
import jax.numpy as jnp
from jax import lax
from jax.experimental import pallas as pl
from jax.experimental.pallas import tpu as pltpu
from jax.experimental.pallas import tpu_sc as plsc

N = 10000
E = 320000
D = 128
L = 16
NSC = 2
NTILE = 16
NW = NSC * NTILE
NPAD = 10240
CHUNK = 128
CPT0 = 136
CPT1 = 24
CPT = CPT0
EPT = (CPT0 + CPT1) * CHUNK // 2
EPAD = NTILE * (CPT0 + CPT1) * CHUNK
NACC = NPAD
APT = NACC // NTILE
ZCP = APT // CHUNK
NBUF = 2
NIDX = 4

_mesh = plsc.VectorSubcoreMesh(core_axis_name="c", subcore_axis_name="s",
                               num_cores=NSC, num_subcores=NTILE)


@functools.partial(
    pl.kernel,
    out_type=jax.ShapeDtypeStruct((NW, NPAD), jnp.float32),
    mesh=_mesh,
    scratch_types=[
        pltpu.VMEM((EPT,), jnp.int32),
        pltpu.VMEM((NPAD,), jnp.float32),
    ],
    compiler_params=pltpu.CompilerParams(needs_layout_passes=False),
)
def _deg_kernel(dst_hbm, out_hbm, dst_v, hist_v):
    c = lax.axis_index("c")
    s = lax.axis_index("s")
    wid = c * NTILE + s
    zeros16 = jnp.zeros((L,), jnp.float32)

    def zbody(i, _):
        hist_v[pl.ds(i * L, L)] = zeros16
        return ()

    lax.fori_loop(0, NPAD // L, zbody, (), unroll=8)
    pltpu.sync_copy(dst_hbm.at[pl.ds(wid * EPT, EPT)], dst_v)
    ones16 = jnp.ones((L,), jnp.float32)

    def body(k, _):
        idx = dst_v[pl.ds(k * L, L)]
        plsc.addupdate_scatter(hist_v, [idx], ones16)
        return ()

    lax.fori_loop(0, EPT // L, body, (), unroll=8)
    pltpu.sync_copy(hist_v, out_hbm.at[wid])


_BM = 1024


@functools.partial(
    pl.pallas_call,
    grid=(NPAD // _BM,),
    in_specs=[
        pl.BlockSpec((_BM, D), lambda i: (i, 0)),
        pl.BlockSpec((D, D), lambda i: (0, 0)),
        pl.BlockSpec((NW, _BM), lambda i: (0, i)),
    ],
    out_specs=pl.BlockSpec((_BM, D), lambda i: (i, 0)),
    out_shape=jax.ShapeDtypeStruct((NPAD, D), jnp.float32),
)
def _xw_kernel(x_ref, w_ref, h_ref, o_ref):
    deg = jnp.sum(h_ref[...], axis=0) + 1.0
    dis = lax.rsqrt(deg)
    xw = jnp.dot(x_ref[...], w_ref[...], preferred_element_type=jnp.float32)
    o_ref[...] = xw * dis[:, None]


@functools.partial(
    pl.kernel,
    out_type=jax.ShapeDtypeStruct((NSC, NACC, D), jnp.float32),
    mesh=_mesh,
    scratch_types=[
        [pltpu.VMEM((CHUNK,), jnp.int32)] * NIDX,
        [pltpu.VMEM((CHUNK,), jnp.int32)] * NIDX,
        pltpu.VMEM((NBUF, CHUNK, D), jnp.float32),
        pltpu.VMEM_SHARED((NACC, D), jnp.float32),
    ] + [pltpu.SemaphoreType.DMA] * (2 * NBUF + 2 * NIDX),
)
def _edge_kernel(xw_hbm, src_hbm, dst_hbm, out_hbm, src_v, dst_v, rows_v,
                 acc_sh, *sems):
    sg = sems[:NBUF]
    ss = sems[NBUF:2 * NBUF]
    ssrc = sems[2 * NBUF:2 * NBUF + NIDX]
    sdst = sems[2 * NBUF + NIDX:]
    c = lax.axis_index("c")
    s = lax.axis_index("s")
    cpt_c = jnp.where(c == 0, CPT0, CPT1)
    base = (c * NTILE * CPT0 + s * cpt_c) * CHUNK
    zeros16 = jnp.zeros((L,), jnp.float32)

    def zrow(i, _):
        for j in range(D // L):
            rows_v[0, i, pl.ds(j * L, L)] = zeros16
        return ()

    lax.fori_loop(0, CHUNK, zrow, ())
    for i in range(ZCP):
        pltpu.sync_copy(rows_v.at[0],
                        acc_sh.at[pl.ds(s * APT + i * CHUNK, CHUNK)])
    plsc.subcore_barrier()

    def start_idx(g, q):
        off = base + g * CHUNK
        pltpu.async_copy(src_hbm.at[pl.ds(off, CHUNK)], src_v[q], ssrc[q])
        pltpu.async_copy(dst_hbm.at[pl.ds(off, CHUNK)], dst_v[q], sdst[q])

    def wait_idx(g, q):
        off = base + g * CHUNK
        pltpu.make_async_copy(src_hbm.at[pl.ds(off, CHUNK)], src_v[q],
                              ssrc[q]).wait()
        pltpu.make_async_copy(dst_hbm.at[pl.ds(off, CHUNK)], dst_v[q],
                              sdst[q]).wait()

    def start_gather(q, b):
        pltpu.async_copy(xw_hbm.at[src_v[q]], rows_v.at[b], sg[b])

    def wait_gather(q, b):
        pltpu.make_async_copy(xw_hbm.at[src_v[q]], rows_v.at[b],
                              sg[b]).wait()

    def start_scatter(q, b):
        pltpu.async_copy(rows_v.at[b], acc_sh.at[dst_v[q]], ss[b],
                         add=True)

    def wait_scatter(q, b):
        pltpu.make_async_copy(rows_v.at[b], acc_sh.at[dst_v[q]],
                              ss[b]).wait()

    def body(g, b, q, first, issue_gather, issue_idx):
        wait_gather(q, b)
        if not first:
            wait_scatter((q - 1) % NIDX, 1 - b)
        start_scatter(q, b)
        if issue_gather:
            wait_idx(g + 1, (q + 1) % NIDX)
            start_gather((q + 1) % NIDX, 1 - b)
        if issue_idx:
            start_idx(g + 3, (q + 3) % NIDX)

    for q in range(NIDX - 1):
        start_idx(q, q)
    wait_idx(0, 0)
    start_gather(0, 0)
    body(0, 0, 0, True, True, True)

    def quad(k, _):
        for j in range(NIDX):
            body(1 + 4 * k + j, (1 + j) % 2, (1 + j) % NIDX,
                 False, True, True)
        return ()

    lax.fori_loop(0, (cpt_c - 4) // NIDX, quad, ())
    body(cpt_c - 3, (CPT - 3) % 2, (CPT - 3) % NIDX, False, True, False)
    body(cpt_c - 2, (CPT - 2) % 2, (CPT - 2) % NIDX, False, True, False)
    body(cpt_c - 1, (CPT - 1) % 2, (CPT - 1) % NIDX, False, False, False)
    wait_scatter((CPT - 1) % NIDX, (CPT - 1) % 2)
    plsc.subcore_barrier()

    for i in range(ZCP):
        r0 = s * APT + i * CHUNK
        pltpu.sync_copy(acc_sh.at[pl.ds(r0, CHUNK)],
                        out_hbm.at[c, pl.ds(r0, CHUNK)])


_BD = 1024


@functools.partial(
    pl.pallas_call,
    grid=(pl.cdiv(N, _BD),),
    in_specs=[
        pl.BlockSpec((NSC, _BD, D), lambda i: (0, i, 0)),
        pl.BlockSpec((_BD, D), lambda i: (i, 0)),
        pl.BlockSpec((NW, _BD), lambda i: (0, i)),
        pl.BlockSpec((1, D), lambda i: (0, 0)),
        pl.BlockSpec((1, D), lambda i: (0, 0)),
    ],
    out_specs=pl.BlockSpec((_BD, D), lambda i: (i, 0)),
    out_shape=jax.ShapeDtypeStruct((N, D), jnp.float32),
)
def _finish_kernel(acc_ref, xw_ref, h_ref, b_ref, a_ref, o_ref):
    deg = jnp.sum(h_ref[...], axis=0) + 1.0
    dis = lax.rsqrt(deg)
    acc = acc_ref[...]
    t = (acc[0] + acc[1] + xw_ref[...]) * dis[:, None] + b_ref[...]
    o_ref[...] = jnp.where(t >= 0, t, a_ref[...] * t)


def kernel(x, edge_index, W, b, prelu_a):
    src = edge_index[0]
    dst = edge_index[1]
    src_p = jnp.concatenate(
        [src, jnp.full((EPAD - E,), N, dtype=jnp.int32)])
    dst_p = jnp.concatenate(
        [dst, N + jnp.arange(EPAD - E, dtype=jnp.int32) % (NPAD - N)])
    x_p = jnp.zeros((NPAD, D), x.dtype).at[:N].set(x)
    hist = _deg_kernel(dst_p)
    xw_s = _xw_kernel(x_p, W, hist)
    acc = _edge_kernel(xw_s, src_p, dst_p)
    out = _finish_kernel(acc, xw_s, hist, b.reshape(1, D),
                         prelu_a.reshape(1, D))
    return out

# --- scband reference (transcript-rebuilt; emitter-appended) ---
"""Pipeline reference for scband-encoder-47330539602647 (READ-ONLY COPY).

The authoritative reference and input builder live on the scoring server;
editing this copy changes nothing except your own understanding.
"""

import jax, jax.numpy as jnp
import numpy as np

N = 10000
E = 320000
D_IN = 128
D_OUT = 128


def setup_inputs(seed: int = 0) -> dict:
    key = jax.random.key(seed)
    k1, k2, k3 = jax.random.split(key, 3)
    x = jax.random.normal(k1, (N, D_IN), dtype=jnp.float32)
    edge_index = jax.random.randint(k2, (2, E), 0, N, dtype=jnp.int32)
    # GCNConv learned params: weight [D_IN, D_OUT] (glorot), bias [D_OUT]
    W = jax.random.normal(k3, (D_IN, D_OUT), dtype=jnp.float32) * (1.0 / np.sqrt(D_IN))
    b = jnp.zeros((D_OUT,), dtype=jnp.float32)
    # PReLU per-channel slope, torch default init 0.25
    prelu_a = jnp.full((D_OUT,), 0.25, dtype=jnp.float32)
    return {"x": x, "edge_index": edge_index, "W": W, "b": b, "prelu_a": prelu_a}


def reference(x, edge_index, W, b, prelu_a):
    # GCNConv: out = D^{-1/2} (A + I) D^{-1/2} (X W) + b, then PReLU
    src = edge_index[0]
    dst = edge_index[1]
    # add self-loops
    loop = jnp.arange(N, dtype=src.dtype)
    src = jnp.concatenate([src, loop], axis=0)
    dst = jnp.concatenate([dst, loop], axis=0)
    # linear transform first (d_in == d_out here)
    xw = x @ W
    # symmetric normalization based on in-degree (incl. self loops)
    ones = jnp.ones_like(dst, dtype=jnp.float32)
    deg = jax.ops.segment_sum(ones, dst, num_segments=N)
    deg_inv_sqrt = jnp.where(deg > 0, jax.lax.rsqrt(jnp.maximum(deg, 1e-12)), 0.0)
    norm = deg_inv_sqrt[src] * deg_inv_sqrt[dst]
    # gather messages along edges, scale, scatter-add to destination nodes
    msgs = jnp.take(xw, src, axis=0) * norm[:, None]
    out = jax.ops.segment_sum(msgs, dst, num_segments=N)
    out = out + b
    # PReLU with per-channel slope
    out = jnp.where(out >= 0, out, prelu_a * out)
    return out

if __name__ == "__main__":
    import jax
    _d = setup_inputs()
    print(jax.jit(kernel)(*tuple(_d.values())))

</pallas_src>

<mosaic_0001>
#map = affine_map<(d0, d1) -> (0)>
#map1 = affine_map<(d0, d1) -> (0, 0)>
module attributes {stable_mosaic.version = 14 : i64} {
  func.func @_deg_kernel(%arg0: i32, %arg1: i32, %arg2: memref<327680xi32, #tpu.memory_space<hbm>>, %arg3: memref<32x10240xf32, #tpu.memory_space<hbm>>, %arg4: memref<10240xi32, #tpu.memory_space<vmem>>, %arg5: memref<10240xf32, #tpu.memory_space<vmem>>) attributes {dimension_semantics = [#tpu.dimension_semantics<core_parallel>, #tpu.dimension_semantics<subcore_parallel>], iteration_bounds = array<i64: 2, 16>, scalar_prefetch = 0 : i64, scratch_operands = 2 : i64, tpu.core_type = #tpu.core_type<sc_vector_subcore>, window_params = [{transform_indices = #map}, {transform_indices = #map1}]} {
    %mul3A = arith.constant 16 : i32
    %mul3A_0 = arith.muli %arg0, %mul3A : i32
    %add3A = arith.addi %mul3A_0, %arg1 : i32
    %broadcast_in_dim3A = arith.constant 0.000000e+00 : f32
    %broadcast_in_dim3A_1 = vector.broadcast %broadcast_in_dim3A : f32 to vector<16xf32>
    %scan3A = arith.constant 0 : i32
    %scan3A_2 = arith.constant 640 : i32
    %scan3A_3 = arith.addi %scan3A, %scan3A_2 : i32
    %scan3A_4 = arith.constant 8 : i32
    scf.for %scan3A_15 = %scan3A to %scan3A_3 step %scan3A_4  : i32 {
      %mul3A_16 = arith.constant 16 : i32
      %mul3A_17 = arith.muli %scan3A_15, %mul3A_16 : i32
      %swap3A = arith.index_cast %mul3A_17 : i32 to index
      %swap3A_18 = tpu.vector_load %arg5[%swap3A] {strides = array<i32>} : memref<10240xf32, #tpu.memory_space<vmem>>, vector<16xf32>,
      tpu.vector_store %arg5[%swap3A], %broadcast_in_dim3A_1 {strides = array<i32>} : memref<10240xf32, #tpu.memory_space<vmem>>, vector<16xf32>,
      %scan3A_19 = arith.constant 1 : i32
      %scan3A_20 = arith.addi %scan3A_15, %scan3A_19 : i32
      %mul3A_21 = arith.constant 16 : i32
      %mul3A_22 = arith.muli %scan3A_20, %mul3A_21 : i32
      %swap3A_23 = arith.index_cast %mul3A_22 : i32 to index
      %swap3A_24 = tpu.vector_load %arg5[%swap3A_23] {strides = array<i32>} : memref<10240xf32, #tpu.memory_space<vmem>>, vector<16xf32>,
      tpu.vector_store %arg5[%swap3A_23], %broadcast_in_dim3A_1 {strides = array<i32>} : memref<10240xf32, #tpu.memory_space<vmem>>, vector<16xf32>,
      %scan3A_25 = arith.constant 2 : i32
      %scan3A_26 = arith.addi %scan3A_15, %scan3A_25 : i32
      %mul3A_27 = arith.constant 16 : i32
      %mul3A_28 = arith.muli %scan3A_26, %mul3A_27 : i32
      %swap3A_29 = arith.index_cast %mul3A_28 : i32 to index
      %swap3A_30 = tpu.vector_load %arg5[%swap3A_29] {strides = array<i32>} : memref<10240xf32, #tpu.memory_space<vmem>>, vector<16xf32>,
      tpu.vector_store %arg5[%swap3A_29], %broadcast_in_dim3A_1 {strides = array<i32>} : memref<10240xf32, #tpu.memory_space<vmem>>, vector<16xf32>,
      %scan3A_31 = arith.constant 3 : i32
      %scan3A_32 = arith.addi %scan3A_15, %scan3A_31 : i32
      %mul3A_33 = arith.constant 16 : i32
      %mul3A_34 = arith.muli %scan3A_32, %mul3A_33 : i32
      %swap3A_35 = arith.index_cast %mul3A_34 : i32 to index
      %swap3A_36 = tpu.vector_load %arg5[%swap3A_35] {strides = array<i32>} : memref<10240xf32, #tpu.memory_space<vmem>>, vector<16xf32>,
      tpu.vector_store %arg5[%swap3A_35], %broadcast_in_dim3A_1 {strides = array<i32>} : memref<10240xf32, #tpu.memory_space<vmem>>, vector<16xf32>,
      %scan3A_37 = arith.constant 4 : i32
      %scan3A_38 = arith.addi %scan3A_15, %scan3A_37 : i32
      %mul3A_39 = arith.constant 16 : i32
      %mul3A_40 = arith.muli %scan3A_38, %mul3A_39 : i32
      %swap3A_41 = arith.index_cast %mul3A_40 : i32 to index
      %swap3A_42 = tpu.vector_load %arg5[%swap3A_41] {strides = array<i32>} : memref<10240xf32, #tpu.memory_space<vmem>>, vector<16xf32>,
      tpu.vector_store %arg5[%swap3A_41], %broadcast_in_dim3A_1 {strides = array<i32>} : memref<10240xf32, #tpu.memory_space<vmem>>, vector<16xf32>,
      %scan3A_43 = arith.constant 5 : i32
      %scan3A_44 = arith.addi %scan3A_15, %scan3A_43 : i32
      %mul3A_45 = arith.constant 16 : i32
      %mul3A_46 = arith.muli %scan3A_44, %mul3A_45 : i32
      %swap3A_47 = arith.index_cast %mul3A_46 : i32 to index
      %swap3A_48 = tpu.vector_load %arg5[%swap3A_47] {strides = array<i32>} : memref<10240xf32, #tpu.memory_space<vmem>>, vector<16xf32>,
      tpu.vector_store %arg5[%swap3A_47], %broadcast_in_dim3A_1 {strides = array<i32>} : memref<10240xf32, #tpu.memory_space<vmem>>, vector<16xf32>,
      %scan3A_49 = arith.constant 6 : i32
      %scan3A_50 = arith.addi %scan3A_15, %scan3A_49 : i32
      %mul3A_51 = arith.constant 16 : i32
      %mul3A_52 = arith.muli %scan3A_50, %mul3A_51 : i32
      %swap3A_53 = arith.index_cast %mul3A_52 : i32 to index
      %swap3A_54 = tpu.vector_load %arg5[%swap3A_53] {strides = array<i32>} : memref<10240xf32, #tpu.memory_space<vmem>>, vector<16xf32>,
      tpu.vector_store %arg5[%swap3A_53], %broadcast_in_dim3A_1 {strides = array<i32>} : memref<10240xf32, #tpu.memory_space<vmem>>, vector<16xf32>,
      %scan3A_55 = arith.constant 7 : i32
      %scan3A_56 = arith.addi %scan3A_15, %scan3A_55 : i32
      %mul3A_57 = arith.constant 16 : i32
      %mul3A_58 = arith.muli %scan3A_56, %mul3A_57 : i32
      %swap3A_59 = arith.index_cast %mul3A_58 : i32 to index
      %swap3A_60 = tpu.vector_load %arg5[%swap3A_59] {strides = array<i32>} : memref<10240xf32, #tpu.memory_space<vmem>>, vector<16xf32>,
      tpu.vector_store %arg5[%swap3A_59], %broadcast_in_dim3A_1 {strides = array<i32>} : memref<10240xf32, #tpu.memory_space<vmem>>, vector<16xf32>,
    }
    %scan3A_5 = arith.constant 640 : i32
    %mul3A_6 = arith.constant 10240 : i32
    %mul3A_7 = arith.muli %add3A, %mul3A_6 : i32
    "tpu.region"() ({
      %run_scoped3A = tpu.sem_alloc : memref<!tpu.dma_semaphore, #tpu.memory_space<semaphore_mem>>
      %dma_start3A = tpu.memref_slice %arg2[%mul3A_7] : memref<327680xi32, #tpu.memory_space<hbm>> -> memref<10240xi32, #tpu.memory_space<hbm>>
      %dma_start3A_15 = tpu.memref_slice %arg2[%mul3A_7] : memref<327680xi32, #tpu.memory_space<hbm>> -> memref<10240xi32, #tpu.memory_space<hbm>>
      tpu.enqueue_dma source(%dma_start3A_15 : memref<10240xi32, #tpu.memory_space<hbm>>) target(%arg4 : memref<10240xi32, #tpu.memory_space<vmem>>) target_semaphore(%run_scoped3A : memref<!tpu.dma_semaphore, #tpu.memory_space<semaphore_mem>>)
      %dma_wait3A = tpu.memref_slice %arg2[%mul3A_7] : memref<327680xi32, #tpu.memory_space<hbm>> -> memref<10240xi32, #tpu.memory_space<hbm>>
      %dma_wait3A_16 = tpu.memref_slice %arg2[%mul3A_7] : memref<327680xi32, #tpu.memory_space<hbm>> -> memref<10240xi32, #tpu.memory_space<hbm>>
      tpu.wait_dma2 semaphore(%run_scoped3A : memref<!tpu.dma_semaphore, #tpu.memory_space<semaphore_mem>>) src(%dma_wait3A_16 : memref<10240xi32, #tpu.memory_space<hbm>>) dst(%arg4 : memref<10240xi32, #tpu.memory_space<vmem>>)
      tpu.yield
    }) : () -> ()
    %broadcast_in_dim3A_8 = arith.constant 1.000000e+00 : f32
    %broadcast_in_dim3A_9 = vector.broadcast %broadcast_in_dim3A_8 : f32 to vector<16xf32>
    %scan3A_10 = arith.constant 0 : i32
    %scan3A_11 = arith.constant 640 : i32
    %scan3A_12 = arith.addi %scan3A_10, %scan3A_11 : i32
    %scan3A_13 = arith.constant 8 : i32
    scf.for %scan3A_15 = %scan3A_10 to %scan3A_12 step %scan3A_13  : i32 {
      %mul3A_16 = arith.constant 16 : i32
      %mul3A_17 = arith.muli %scan3A_15, %mul3A_16 : i32
      %get3A = arith.index_cast %mul3A_17 : i32 to index
      %get3A_18 = tpu.vector_load %arg4[%get3A] {strides = array<i32>} : memref<10240xi32, #tpu.memory_space<vmem>>, vector<16xi32>,
      tpu.vector_store_idx %arg5[%get3A_18], %broadcast_in_dim3A_9 {add = true} : memref<10240xf32, #tpu.memory_space<vmem>>[vector<16xi32>], vector<16xf32>,
      %scan3A_19 = arith.constant 1 : i32
      %scan3A_20 = arith.addi %scan3A_15, %scan3A_19 : i32
      %mul3A_21 = arith.constant 16 : i32
      %mul3A_22 = arith.muli %scan3A_20, %mul3A_21 : i32
      %get3A_23 = arith.index_cast %mul3A_22 : i32 to index
      %get3A_24 = tpu.vector_load %arg4[%get3A_23] {strides = array<i32>} : memref<10240xi32, #tpu.memory_space<vmem>>, vector<16xi32>,
      tpu.vector_store_idx %arg5[%get3A_24], %broadcast_in_dim3A_9 {add = true} : memref<10240xf32, #tpu.memory_space<vmem>>[vector<16xi32>], vector<16xf32>,
      %scan3A_25 = arith.constant 2 : i32
      %scan3A_26 = arith.addi %scan3A_15, %scan3A_25 : i32
      %mul3A_27 = arith.constant 16 : i32
      %mul3A_28 = arith.muli %scan3A_26, %mul3A_27 : i32
      %get3A_29 = arith.index_cast %mul3A_28 : i32 to index
      %get3A_30 = tpu.vector_load %arg4[%get3A_29] {strides = array<i32>} : memref<10240xi32, #tpu.memory_space<vmem>>, vector<16xi32>,
      tpu.vector_store_idx %arg5[%get3A_30], %broadcast_in_dim3A_9 {add = true} : memref<10240xf32, #tpu.memory_space<vmem>>[vector<16xi32>], vector<16xf32>,
      %scan3A_31 = arith.constant 3 : i32
      %scan3A_32 = arith.addi %scan3A_15, %scan3A_31 : i32
      %mul3A_33 = arith.constant 16 : i32
      %mul3A_34 = arith.muli %scan3A_32, %mul3A_33 : i32
      %get3A_35 = arith.index_cast %mul3A_34 : i32 to index
      %get3A_36 = tpu.vector_load %arg4[%get3A_35] {strides = array<i32>} : memref<10240xi32, #tpu.memory_space<vmem>>, vector<16xi32>,
      tpu.vector_store_idx %arg5[%get3A_36], %broadcast_in_dim3A_9 {add = true} : memref<10240xf32, #tpu.memory_space<vmem>>[vector<16xi32>], vector<16xf32>,
      %scan3A_37 = arith.constant 4 : i32
      %scan3A_38 = arith.addi %scan3A_15, %scan3A_37 : i32
      %mul3A_39 = arith.constant 16 : i32
      %mul3A_40 = arith.muli %scan3A_38, %mul3A_39 : i32
      %get3A_41 = arith.index_cast %mul3A_40 : i32 to index
      %get3A_42 = tpu.vector_load %arg4[%get3A_41] {strides = array<i32>} : memref<10240xi32, #tpu.memory_space<vmem>>, vector<16xi32>,
      tpu.vector_store_idx %arg5[%get3A_42], %broadcast_in_dim3A_9 {add = true} : memref<10240xf32, #tpu.memory_space<vmem>>[vector<16xi32>], vector<16xf32>,
      %scan3A_43 = arith.constant 5 : i32
      %scan3A_44 = arith.addi %scan3A_15, %scan3A_43 : i32
      %mul3A_45 = arith.constant 16 : i32
      %mul3A_46 = arith.muli %scan3A_44, %mul3A_45 : i32
      %get3A_47 = arith.index_cast %mul3A_46 : i32 to index
      %get3A_48 = tpu.vector_load %arg4[%get3A_47] {strides = array<i32>} : memref<10240xi32, #tpu.memory_space<vmem>>, vector<16xi32>,
      tpu.vector_store_idx %arg5[%get3A_48], %broadcast_in_dim3A_9 {add = true} : memref<10240xf32, #tpu.memory_space<vmem>>[vector<16xi32>], vector<16xf32>,
      %scan3A_49 = arith.constant 6 : i32
      %scan3A_50 = arith.addi %scan3A_15, %scan3A_49 : i32
      %mul3A_51 = arith.constant 16 : i32
      %mul3A_52 = arith.muli %scan3A_50, %mul3A_51 : i32
      %get3A_53 = arith.index_cast %mul3A_52 : i32 to index
      %get3A_54 = tpu.vector_load %arg4[%get3A_53] {strides = array<i32>} : memref<10240xi32, #tpu.memory_space<vmem>>, vector<16xi32>,
      tpu.vector_store_idx %arg5[%get3A_54], %broadcast_in_dim3A_9 {add = true} : memref<10240xf32, #tpu.memory_space<vmem>>[vector<16xi32>], vector<16xf32>,
      %scan3A_55 = arith.constant 7 : i32
      %scan3A_56 = arith.addi %scan3A_15, %scan3A_55 : i32
      %mul3A_57 = arith.constant 16 : i32
      %mul3A_58 = arith.muli %scan3A_56, %mul3A_57 : i32
      %get3A_59 = arith.index_cast %mul3A_58 : i32 to index
      %get3A_60 = tpu.vector_load %arg4[%get3A_59] {strides = array<i32>} : memref<10240xi32, #tpu.memory_space<vmem>>, vector<16xi32>,
      tpu.vector_store_idx %arg5[%get3A_60], %broadcast_in_dim3A_9 {add = true} : memref<10240xf32, #tpu.memory_space<vmem>>[vector<16xi32>], vector<16xf32>,
    }
    %scan3A_14 = arith.constant 640 : i32
    "tpu.region"() ({
      %run_scoped3A = tpu.sem_alloc : memref<!tpu.dma_semaphore, #tpu.memory_space<semaphore_mem>>
      %dma_start3A = arith.constant 0 : i32
      %dma_start3A_15 = tpu.memref_slice %arg3[%add3A, %dma_start3A] : memref<32x10240xf32, #tpu.memory_space<hbm>> -> memref<1x10240xf32, #tpu.memory_space<hbm>>
      %dma_start3A_16 = tpu.memref_squeeze %dma_start3A_15 : memref<1x10240xf32, #tpu.memory_space<hbm>> -> memref<10240xf32, #tpu.memory_space<hbm>>
      %dma_start3A_17 = arith.constant 0 : i32
      %dma_start3A_18 = tpu.memref_slice %arg3[%add3A, %dma_start3A_17] : memref<32x10240xf32, #tpu.memory_space<hbm>> -> memref<1x10240xf32, #tpu.memory_space<hbm>>
      %dma_start3A_19 = tpu.memref_squeeze %dma_start3A_18 : memref<1x10240xf32, #tpu.memory_space<hbm>> -> memref<10240xf32, #tpu.memory_space<hbm>>
      tpu.enqueue_dma source(%arg5 : memref<10240xf32, #tpu.memory_space<vmem>>) target(%dma_start3A_19 : memref<10240xf32, #tpu.memory_space<hbm>>) target_semaphore(%run_scoped3A : memref<!tpu.dma_semaphore, #tpu.memory_space<semaphore_mem>>)
      %dma_wait3A = arith.constant 0 : i32
      %dma_wait3A_20 = tpu.memref_slice %arg3[%add3A, %dma_wait3A] : memref<32x10240xf32, #tpu.memory_space<hbm>> -> memref<1x10240xf32, #tpu.memory_space<hbm>>
      %dma_wait3A_21 = tpu.memref_squeeze %dma_wait3A_20 : memref<1x10240xf32, #tpu.memory_space<hbm>> -> memref<10240xf32, #tpu.memory_space<hbm>>
      %dma_wait3A_22 = arith.constant 0 : i32
      %dma_wait3A_23 = tpu.memref_slice %arg3[%add3A, %dma_wait3A_22] : memref<32x10240xf32, #tpu.memory_space<hbm>> -> memref<1x10240xf32, #tpu.memory_space<hbm>>
      %dma_wait3A_24 = tpu.memref_squeeze %dma_wait3A_23 : memref<1x10240xf32, #tpu.memory_space<hbm>> -> memref<10240xf32, #tpu.memory_space<hbm>>
      tpu.wait_dma2 semaphore(%run_scoped3A : memref<!tpu.dma_semaphore, #tpu.memory_space<semaphore_mem>>) src(%arg5 : memref<10240xf32, #tpu.memory_space<vmem>>) dst(%dma_wait3A_24 : memref<10240xf32, #tpu.memory_space<hbm>>)
      tpu.yield
    }) : () -> ()
    return
  }
}

#map = affine_map<(d0, d1) -> (0, 0)>
#map1 = affine_map<(d0, d1) -> (0)>
#map2 = affine_map<(d0, d1) -> (0, 0, 0)>
module attributes {stable_mosaic.version = 14 : i64} {
  func.func @_edge_kernel(%arg0: i32, %arg1: i32, %arg2: memref<10240x128xf32, #tpu.memory_space<hbm>>, %arg3: memref<327680xi32, #tpu.memory_space<hbm>>, %arg4: memref<327680xi32, #tpu.memory_space<hbm>>, %arg5: memref<2x10240x128xf32, #tpu.memory_space<hbm>>, %arg6: memref<128xi32, #tpu.memory_space<vmem>>, %arg7: memref<128xi32, #tpu.memory_space<vmem>>, %arg8: memref<128xi32, #tpu.memory_space<vmem>>, %arg9: memref<128xi32, #tpu.memory_space<vmem>>, %arg10: memref<128xi32, #tpu.memory_space<vmem>>, %arg11: memref<128xi32, #tpu.memory_space<vmem>>, %arg12: memref<128xi32, #tpu.memory_space<vmem>>, %arg13: memref<128xi32, #tpu.memory_space<vmem>>, %arg14: memref<2x128x128xf32, #tpu.memory_space<vmem>>, %arg15: memref<10240x128xf32, #tpu.memory_space<vmem_shared>>, %arg16: memref<!tpu.dma_semaphore, #tpu.memory_space<semaphore_mem>>, %arg17: memref<!tpu.dma_semaphore, #tpu.memory_space<semaphore_mem>>, %arg18: memref<!tpu.dma_semaphore, #tpu.memory_space<semaphore_mem>>, %arg19: memref<!tpu.dma_semaphore, #tpu.memory_space<semaphore_mem>>, %arg20: memref<!tpu.dma_semaphore, #tpu.memory_space<semaphore_mem>>, %arg21: memref<!tpu.dma_semaphore, #tpu.memory_space<semaphore_mem>>, %arg22: memref<!tpu.dma_semaphore, #tpu.memory_space<semaphore_mem>>, %arg23: memref<!tpu.dma_semaphore, #tpu.memory_space<semaphore_mem>>, %arg24: memref<!tpu.dma_semaphore, #tpu.memory_space<semaphore_mem>>, %arg25: memref<!tpu.dma_semaphore, #tpu.memory_space<semaphore_mem>>, %arg26: memref<!tpu.dma_semaphore, #tpu.memory_space<semaphore_mem>>, %arg27: memref<!tpu.dma_semaphore, #tpu.memory_space<semaphore_mem>>) attributes {dimension_semantics = [#tpu.dimension_semantics<core_parallel>, #tpu.dimension_semantics<subcore_parallel>], iteration_bounds = array<i64: 2, 16>, scalar_prefetch = 0 : i64, scratch_operands = 22 : i64, tpu.core_type = #tpu.core_type<sc_vector_subcore>, window_params = [{transform_indices = #map}, {transform_indices = #map1}, {transform_indices = #map1}, {transform_indices = #map2}]} {
    %eq3A = arith.constant 0 : i32
    %eq3A_0 = arith.cmpi eq, %arg0, %eq3A : i32
    %jit3A = arith.constant 136 : i32
    %jit3A_1 = arith.constant 24 : i32
    %select_n3A = arith.select %eq3A_0, %jit3A, %jit3A_1 : i32
    %mul3A = arith.constant 16 : i32
    %mul3A_2 = arith.muli %arg0, %mul3A : i32
    %mul3A_3 = arith.constant 136 : i32
    %mul3A_4 = arith.muli %mul3A_2, %mul3A_3 : i32
    %mul3A_5 = arith.muli %arg1, %select_n3A : i32
    %add3A = arith.addi %mul3A_4, %mul3A_5 : i32
    %mul3A_6 = arith.constant 128 : i32
    %mul3A_7 = arith.muli %add3A, %mul3A_6 : i32
    %broadcast_in_dim3A = arith.constant 0.000000e+00 : f32
    %broadcast_in_dim3A_8 = vector.broadcast %broadcast_in_dim3A : f32 to vector<16xf32>
    %scan3A = arith.constant 0 : i32
    %scan3A_9 = arith.constant 128 : i32
    %scan3A_10 = arith.addi %scan3A, %scan3A_9 : i32
    %scan3A_11 = arith.constant 1 : i32
    scf.for %scan3A_272 = %scan3A to %scan3A_10 step %scan3A_11  : i32 {
      %swap3A = arith.constant 0 : i32
      %swap3A_273 = arith.index_cast %swap3A : i32 to index
      %swap3A_274 = arith.index_cast %scan3A_272 : i32 to index
      %swap3A_275 = arith.constant 0 : index
      %swap3A_276 = tpu.vector_load %arg14[%swap3A_273, %swap3A_274, %swap3A_275] {strides = array<i32>} : memref<2x128x128xf32, #tpu.memory_space<vmem>>, vector<1x1x16xf32>,
      %swap3A_277 = vector.shape_cast %swap3A_276 : vector<1x1x16xf32> to vector<16xf32>
      %swap3A_278 = vector.shape_cast %broadcast_in_dim3A_8 : vector<16xf32> to vector<1x1x16xf32>
      tpu.vector_store %arg14[%swap3A_273, %swap3A_274, %swap3A_275], %swap3A_278 {strides = array<i32>} : memref<2x128x128xf32, #tpu.memory_space<vmem>>, vector<1x1x16xf32>,
      %swap3A_279 = arith.constant 0 : i32
      %swap3A_280 = arith.index_cast %swap3A_279 : i32 to index
      %swap3A_281 = arith.index_cast %scan3A_272 : i32 to index
      %swap3A_282 = arith.constant 16 : index
      %swap3A_283 = tpu.vector_load %arg14[%swap3A_280, %swap3A_281, %swap3A_282] {strides = array<i32>} : memref<2x128x128xf32, #tpu.memory_space<vmem>>, vector<1x1x16xf32>,
      %swap3A_284 = vector.shape_cast %swap3A_283 : vector<1x1x16xf32> to vector<16xf32>
      %swap3A_285 = vector.shape_cast %broadcast_in_dim3A_8 : vector<16xf32> to vector<1x1x16xf32>
      tpu.vector_store %arg14[%swap3A_280, %swap3A_281, %swap3A_282], %swap3A_285 {strides = array<i32>} : memref<2x128x128xf32, #tpu.memory_space<vmem>>, vector<1x1x16xf32>,
      %swap3A_286 = arith.constant 0 : i32
      %swap3A_287 = arith.index_cast %swap3A_286 : i32 to index
      %swap3A_288 = arith.index_cast %scan3A_272 : i32 to index
      %swap3A_289 = arith.constant 32 : index
      %swap3A_290 = tpu.vector_load %arg14[%swap3A_287, %swap3A_288, %swap3A_289] {strides = array<i32>} : memref<2x128x128xf32, #tpu.memory_space<vmem>>, vector<1x1x16xf32>,
      %swap3A_291 = vector.shape_cast %swap3A_290 : vector<1x1x16xf32> to vector<16xf32>
      %swap3A_292 = vector.shape_cast %broadcast_in_dim3A_8 : vector<16xf32> to vector<1x1x16xf32>
      tpu.vector_store %arg14[%swap3A_287, %swap3A_288, %swap3A_289], %swap3A_292 {strides = array<i32>} : memref<2x128x128xf32, #tpu.memory_space<vmem>>, vector<1x1x16xf32>,
      %swap3A_293 = arith.constant 0 : i32
      %swap3A_294 = arith.index_cast %swap3A_293 : i32 to index
      %swap3A_295 = arith.index_cast %scan3A_272 : i32 to index
      %swap3A_296 = arith.constant 48 : index
      %swap3A_297 = tpu.vector_load %arg14[%swap3A_294, %swap3A_295, %swap3A_296] {strides = array<i32>} : memref<2x128x128xf32, #tpu.memory_space<vmem>>, vector<1x1x16xf32>,
      %swap3A_298 = vector.shape_cast %swap3A_297 : vector<1x1x16xf32> to vector<16xf32>
      %swap3A_299 = vector.shape_cast %broadcast_in_dim3A_8 : vector<16xf32> to vector<1x1x16xf32>
      tpu.vector_store %arg14[%swap3A_294, %swap3A_295, %swap3A_296], %swap3A_299 {strides = array<i32>} : memref<2x128x128xf32, #tpu.memory_space<vmem>>, vector<1x1x16xf32>,
      %swap3A_300 = arith.constant 0 : i32
      %swap3A_301 = arith.index_cast %swap3A_300 : i32 to index
      %swap3A_302 = arith.index_cast %scan3A_272 : i32 to index
      %swap3A_303 = arith.constant 64 : index
      %swap3A_304 = tpu.vector_load %arg14[%swap3A_301, %swap3A_302, %swap3A_303] {strides = array<i32>} : memref<2x128x128xf32, #tpu.memory_space<vmem>>, vector<1x1x16xf32>,
      %swap3A_305 = vector.shape_cast %swap3A_304 : vector<1x1x16xf32> to vector<16xf32>
      %swap3A_306 = vector.shape_cast %broadcast_in_dim3A_8 : vector<16xf32> to vector<1x1x16xf32>
      tpu.vector_store %arg14[%swap3A_301, %swap3A_302, %swap3A_303], %swap3A_306 {strides = array<i32>} : memref<2x128x128xf32, #tpu.memory_space<vmem>>, vector<1x1x16xf32>,
      %swap3A_307 = arith.constant 0 : i32
      %swap3A_308 = arith.index_cast %swap3A_307 : i32 to index
      %swap3A_309 = arith.index_cast %scan3A_272 : i32 to index
      %swap3A_310 = arith.constant 80 : index
      %swap3A_311 = tpu.vector_load %arg14[%swap3A_308, %swap3A_309, %swap3A_310] {strides = array<i32>} : memref<2x128x128xf32, #tpu.memory_space<vmem>>, vector<1x1x16xf32>,
      %swap3A_312 = vector.shape_cast %swap3A_311 : vector<1x1x16xf32> to vector<16xf32>
      %swap3A_313 = vector.shape_cast %broadcast_in_dim3A_8 : vector<16xf32> to vector<1x1x16xf32>
      tpu.vector_store %arg14[%swap3A_308, %swap3A_309, %swap3A_310], %swap3A_313 {strides = array<i32>} : memref<2x128x128xf32, #tpu.memory_space<vmem>>, vector<1x1x16xf32>,
      %swap3A_314 = arith.constant 0 : i32
      %swap3A_315 = arith.index_cast %swap3A_314 : i32 to index
      %swap3A_316 = arith.index_cast %scan3A_272 : i32 to index
      %swap3A_317 = arith.constant 96 : index
      %swap3A_318 = tpu.vector_load %arg14[%swap3A_315, %swap3A_316, %swap3A_317] {strides = array<i32>} : memref<2x128x128xf32, #tpu.memory_space<vmem>>, vector<1x1x16xf32>,
      %swap3A_319 = vector.shape_cast %swap3A_318 : vector<1x1x16xf32> to vector<16xf32>
      %swap3A_320 = vector.shape_cast %broadcast_in_dim3A_8 : vector<16xf32> to vector<1x1x16xf32>
      tpu.vector_store %arg14[%swap3A_315, %swap3A_316, %swap3A_317], %swap3A_320 {strides = array<i32>} : memref<2x128x128xf32, #tpu.memory_space<vmem>>, vector<1x1x16xf32>,
      %swap3A_321 = arith.constant 0 : i32
      %swap3A_322 = arith.index_cast %swap3A_321 : i32 to index
      %swap3A_323 = arith.index_cast %scan3A_272 : i32 to index
      %swap3A_324 = arith.constant 112 : index
      %swap3A_325 = tpu.vector_load %arg14[%swap3A_322, %swap3A_323, %swap3A_324] {strides = array<i32>} : memref<2x128x128xf32, #tpu.memory_space<vmem>>, vector<1x1x16xf32>,
      %swap3A_326 = vector.shape_cast %swap3A_325 : vector<1x1x16xf32> to vector<16xf32>
      %swap3A_327 = vector.shape_cast %broadcast_in_dim3A_8 : vector<16xf32> to vector<1x1x16xf32>
      tpu.vector_store %arg14[%swap3A_322, %swap3A_323, %swap3A_324], %swap3A_327 {strides = array<i32>} : memref<2x128x128xf32, #tpu.memory_space<vmem>>, vector<1x1x16xf32>,
    }
    %scan3A_12 = arith.constant 128 : i32
    %mul3A_13 = arith.constant 640 : i32
    %mul3A_14 = arith.muli %arg1, %mul3A_13 : i32
    %add3A_15 = arith.constant 0 : i32
    %add3A_16 = arith.addi %mul3A_14, %add3A_15 : i32
    %run_scoped3A = arith.constant 0 : i32
    "tpu.region"() ({
      %run_scoped3A_272 = tpu.sem_alloc : memref<!tpu.dma_semaphore, #tpu.memory_space<semaphore_mem>>
      %dma_start3A_273 = arith.constant 0 : i32
      %dma_start3A_274 = arith.constant 0 : i32
      %dma_start3A_275 = tpu.memref_slice %arg14[%run_scoped3A, %dma_start3A_273, %dma_start3A_274] : memref<2x128x128xf32, #tpu.memory_space<vmem>> -> memref<1x128x128xf32, #tpu.memory_space<vmem>>
      %dma_start3A_276 = tpu.memref_squeeze %dma_start3A_275 : memref<1x128x128xf32, #tpu.memory_space<vmem>> -> memref<128x128xf32, #tpu.memory_space<vmem>>
      %dma_start3A_277 = arith.constant 0 : i32
      %dma_start3A_278 = tpu.memref_slice %arg15[%add3A_16, %dma_start3A_277] : memref<10240x128xf32, #tpu.memory_space<vmem_shared>> -> memref<128x128xf32, #tpu.memory_space<vmem_shared>>
      %dma_start3A_279 = arith.constant 0 : i32
      %dma_start3A_280 = tpu.memref_slice %arg15[%add3A_16, %dma_start3A_279] : memref<10240x128xf32, #tpu.memory_space<vmem_shared>> -> memref<128x128xf32, #tpu.memory_space<vmem_shared>>
      %dma_start3A_281 = arith.constant 0 : i32
      %dma_start3A_282 = arith.constant 0 : i32
      %dma_start3A_283 = tpu.memref_slice %arg14[%run_scoped3A, %dma_start3A_281, %dma_start3A_282] : memref<2x128x128xf32, #tpu.memory_space<vmem>> -> memref<1x128x128xf32, #tpu.memory_space<vmem>>
      %dma_start3A_284 = tpu.memref_squeeze %dma_start3A_283 : memref<1x128x128xf32, #tpu.memory_space<vmem>> -> memref<128x128xf32, #tpu.memory_space<vmem>>
      tpu.enqueue_dma source(%dma_start3A_284 : memref<128x128xf32, #tpu.memory_space<vmem>>) target(%dma_start3A_280 : memref<128x128xf32, #tpu.memory_space<vmem_shared>>) target_semaphore(%run_scoped3A_272 : memref<!tpu.dma_semaphore, #tpu.memory_space<semaphore_mem>>)
      %dma_wait3A_285 = arith.constant 0 : i32
      %dma_wait3A_286 = arith.constant 0 : i32
      %dma_wait3A_287 = tpu.memref_slice %arg14[%run_scoped3A, %dma_wait3A_285, %dma_wait3A_286] : memref<2x128x128xf32, #tpu.memory_space<vmem>> -> memref<1x128x128xf32, #tpu.memory_space<vmem>>
      %dma_wait3A_288 = tpu.memref_squeeze %dma_wait3A_287 : memref<1x128x128xf32, #tpu.memory_space<vmem>> -> memref<128x128xf32, #tpu.memory_space<vmem>>
      %dma_wait3A_289 = arith.constant 0 : i32
      %dma_wait3A_290 = tpu.memref_slice %arg15[%add3A_16, %dma_wait3A_289] : memref<10240x128xf32, #tpu.memory_space<vmem_shared>> -> memref<128x128xf32, #tpu.memory_space<vmem_shared>>
      %dma_wait3A_291 = arith.constant 0 : i32
      %dma_wait3A_292 = tpu.memref_slice %arg15[%add3A_16, %dma_wait3A_291] : memref<10240x128xf32, #tpu.memory_space<vmem_shared>> -> memref<128x128xf32, #tpu.memory_space<vmem_shared>>
      %dma_wait3A_293 = arith.constant 0 : i32
      %dma_wait3A_294 = arith.constant 0 : i32
      %dma_wait3A_295 = tpu.memref_slice %arg14[%run_scoped3A, %dma_wait3A_293, %dma_wait3A_294] : memref<2x128x128xf32, #tpu.memory_space<vmem>> -> memref<1x128x128xf32, #tpu.memory_space<vmem>>
      %dma_wait3A_296 = tpu.memref_squeeze %dma_wait3A_295 : memref<1x128x128xf32, #tpu.memory_space<vmem>> -> memref<128x128xf32, #tpu.memory_space<vmem>>
      tpu.wait_dma2 semaphore(%run_scoped3A_272 : memref<!tpu.dma_semaphore, #tpu.memory_space<semaphore_mem>>) src(%dma_wait3A_296 : memref<128x128xf32, #tpu.memory_space<vmem>>) dst(%dma_wait3A_292 : memref<128x128xf32, #tpu.memory_space<vmem_shared>>)
      tpu.yield
    }) : () -> ()
    %mul3A_17 = arith.constant 640 : i32
    %mul3A_18 = arith.muli %arg1, %mul3A_17 : i32
    %add3A_19 = arith.constant 128 : i32
    %add3A_20 = arith.addi %mul3A_18, %add3A_19 : i32
    %run_scoped3A_21 = arith.constant 0 : i32
    "tpu.region"() ({
      %run_scoped3A_272 = tpu.sem_alloc : memref<!tpu.dma_semaphore, #tpu.memory_space<semaphore_mem>>
      %dma_start3A_273 = arith.constant 0 : i32
      %dma_start3A_274 = arith.constant 0 : i32
      %dma_start3A_275 = tpu.memref_slice %arg14[%run_scoped3A_21, %dma_start3A_273, %dma_start3A_274] : memref<2x128x128xf32, #tpu.memory_space<vmem>> -> memref<1x128x128xf32, #tpu.memory_space<vmem>>
      %dma_start3A_276 = tpu.memref_squeeze %dma_start3A_275 : memref<1x128x128xf32, #tpu.memory_space<vmem>> -> memref<128x128xf32, #tpu.memory_space<vmem>>
      %dma_start3A_277 = arith.constant 0 : i32
      %dma_start3A_278 = tpu.memref_slice %arg15[%add3A_20, %dma_start3A_277] : memref<10240x128xf32, #tpu.memory_space<vmem_shared>> -> memref<128x128xf32, #tpu.memory_space<vmem_shared>>
      %dma_start3A_279 = arith.constant 0 : i32
      %dma_start3A_280 = tpu.memref_slice %arg15[%add3A_20, %dma_start3A_279] : memref<10240x128xf32, #tpu.memory_space<vmem_shared>> -> memref<128x128xf32, #tpu.memory_space<vmem_shared>>
      %dma_start3A_281 = arith.constant 0 : i32
      %dma_start3A_282 = arith.constant 0 : i32
      %dma_start3A_283 = tpu.memref_slice %arg14[%run_scoped3A_21, %dma_start3A_281, %dma_start3A_282] : memref<2x128x128xf32, #tpu.memory_space<vmem>> -> memref<1x128x128xf32, #tpu.memory_space<vmem>>
      %dma_start3A_284 = tpu.memref_squeeze %dma_start3A_283 : memref<1x128x128xf32, #tpu.memory_space<vmem>> -> memref<128x128xf32, #tpu.memory_space<vmem>>
      tpu.enqueue_dma source(%dma_start3A_284 : memref<128x128xf32, #tpu.memory_space<vmem>>) target(%dma_start3A_280 : memref<128x128xf32, #tpu.memory_space<vmem_shared>>) target_semaphore(%run_scoped3A_272 : memref<!tpu.dma_semaphore, #tpu.memory_space<semaphore_mem>>)
      %dma_wait3A_285 = arith.constant 0 : i32
      %dma_wait3A_286 = arith.constant 0 : i32
      %dma_wait3A_287 = tpu.memref_slice %arg14[%run_scoped3A_21, %dma_wait3A_285, %dma_wait3A_286] : memref<2x128x128xf32, #tpu.memory_space<vmem>> -> memref<1x128x128xf32, #tpu.memory_space<vmem>>
      %dma_wait3A_288 = tpu.memref_squeeze %dma_wait3A_287 : memref<1x128x128xf32, #tpu.memory_space<vmem>> -> memref<128x128xf32, #tpu.memory_space<vmem>>
      %dma_wait3A_289 = arith.constant 0 : i32
      %dma_wait3A_290 = tpu.memref_slice %arg15[%add3A_20, %dma_wait3A_289] : memref<10240x128xf32, #tpu.memory_space<vmem_shared>> -> memref<128x128xf32, #tpu.memory_space<vmem_shared>>
      %dma_wait3A_291 = arith.constant 0 : i32
      %dma_wait3A_292 = tpu.memref_slice %arg15[%add3A_20, %dma_wait3A_291] : memref<10240x128xf32, #tpu.memory_space<vmem_shared>> -> memref<128x128xf32, #tpu.memory_space<vmem_shared>>
      %dma_wait3A_293 = arith.constant 0 : i32
      %dma_wait3A_294 = arith.constant 0 : i32
      %dma_wait3A_295 = tpu.memref_slice %arg14[%run_scoped3A_21, %dma_wait3A_293, %dma_wait3A_294] : memref<2x128x128xf32, #tpu.memory_space<vmem>> -> memref<1x128x128xf32, #tpu.memory_space<vmem>>
      %dma_wait3A_296 = tpu.memref_squeeze %dma_wait3A_295 : memref<1x128x128xf32, #tpu.memory_space<vmem>> -> memref<128x128xf32, #tpu.memory_space<vmem>>
      tpu.wait_dma2 semaphore(%run_scoped3A_272 : memref<!tpu.dma_semaphore, #tpu.memory_space<semaphore_mem>>) src(%dma_wait3A_296 : memref<128x128xf32, #tpu.memory_space<vmem>>) dst(%dma_wait3A_292 : memref<128x128xf32, #tpu.memory_space<vmem_shared>>)
      tpu.yield
    }) : () -> ()
    %mul3A_22 = arith.constant 640 : i32
    %mul3A_23 = arith.muli %arg1, %mul3A_22 : i32
    %add3A_24 = arith.constant 256 : i32
    %add3A_25 = arith.addi %mul3A_23, %add3A_24 : i32
    %run_scoped3A_26 = arith.constant 0 : i32
    "tpu.region"() ({
      %run_scoped3A_272 = tpu.sem_alloc : memref<!tpu.dma_semaphore, #tpu.memory_space<semaphore_mem>>
      %dma_start3A_273 = arith.constant 0 : i32
      %dma_start3A_274 = arith.constant 0 : i32
      %dma_start3A_275 = tpu.memref_slice %arg14[%run_scoped3A_26, %dma_start3A_273, %dma_start3A_274] : memref<2x128x128xf32, #tpu.memory_space<vmem>> -> memref<1x128x128xf32, #tpu.memory_space<vmem>>
      %dma_start3A_276 = tpu.memref_squeeze %dma_start3A_275 : memref<1x128x128xf32, #tpu.memory_space<vmem>> -> memref<128x128xf32, #tpu.memory_space<vmem>>
      %dma_start3A_277 = arith.constant 0 : i32
      %dma_start3A_278 = tpu.memref_slice %arg15[%add3A_25, %dma_start3A_277] : memref<10240x128xf32, #tpu.memory_space<vmem_shared>> -> memref<128x128xf32, #tpu.memory_space<vmem_shared>>
      %dma_start3A_279 = arith.constant 0 : i32
      %dma_start3A_280 = tpu.memref_slice %arg15[%add3A_25, %dma_start3A_279] : memref<10240x128xf32, #tpu.memory_space<vmem_shared>> -> memref<128x128xf32, #tpu.memory_space<vmem_shared>>
      %dma_start3A_281 = arith.constant 0 : i32
      %dma_start3A_282 = arith.constant 0 : i32
      %dma_start3A_283 = tpu.memref_slice %arg14[%run_scoped3A_26, %dma_start3A_281, %dma_start3A_282] : memref<2x128x128xf32, #tpu.memory_space<vmem>> -> memref<1x128x128xf32, #tpu.memory_space<vmem>>
      %dma_start3A_284 = tpu.memref_squeeze %dma_start3A_283 : memref<1x128x128xf32, #tpu.memory_space<vmem>> -> memref<128x128xf32, #tpu.memory_space<vmem>>
      tpu.enqueue_dma source(%dma_start3A_284 : memref<128x128xf32, #tpu.memory_space<vmem>>) target(%dma_start3A_280 : memref<128x128xf32, #tpu.memory_space<vmem_shared>>) target_semaphore(%run_scoped3A_272 : memref<!tpu.dma_semaphore, #tpu.memory_space<semaphore_mem>>)
      %dma_wait3A_285 = arith.constant 0 : i32
      %dma_wait3A_286 = arith.constant 0 : i32
      %dma_wait3A_287 = tpu.memref_slice %arg14[%run_scoped3A_26, %dma_wait3A_285, %dma_wait3A_286] : memref<2x128x128xf32, #tpu.memory_space<vmem>> -> memref<1x128x128xf32, #tpu.memory_space<vmem>>
      %dma_wait3A_288 = tpu.memref_squeeze %dma_wait3A_287 : memref<1x128x128xf32, #tpu.memory_space<vmem>> -> memref<128x128xf32, #tpu.memory_space<vmem>>
      %dma_wait3A_289 = arith.constant 0 : i32
      %dma_wait3A_290 = tpu.memref_slice %arg15[%add3A_25, %dma_wait3A_289] : memref<10240x128xf32, #tpu.memory_space<vmem_shared>> -> memref<128x128xf32, #tpu.memory_space<vmem_shared>>
      %dma_wait3A_291 = arith.constant 0 : i32
      %dma_wait3A_292 = tpu.memref_slice %arg15[%add3A_25, %dma_wait3A_291] : memref<10240x128xf32, #tpu.memory_space<vmem_shared>> -> memref<128x128xf32, #tpu.memory_space<vmem_shared>>
      %dma_wait3A_293 = arith.constant 0 : i32
      %dma_wait3A_294 = arith.constant 0 : i32
      %dma_wait3A_295 = tpu.memref_slice %arg14[%run_scoped3A_26, %dma_wait3A_293, %dma_wait3A_294] : memref<2x128x128xf32, #tpu.memory_space<vmem>> -> memref<1x128x128xf32, #tpu.memory_space<vmem>>
      %dma_wait3A_296 = tpu.memref_squeeze %dma_wait3A_295 : memref<1x128x128xf32, #tpu.memory_space<vmem>> -> memref<128x128xf32, #tpu.memory_space<vmem>>
      tpu.wait_dma2 semaphore(%run_scoped3A_272 : memref<!tpu.dma_semaphore, #tpu.memory_space<semaphore_mem>>) src(%dma_wait3A_296 : memref<128x128xf32, #tpu.memory_space<vmem>>) dst(%dma_wait3A_292 : memref<128x128xf32, #tpu.memory_space<vmem_shared>>)
      tpu.yield
    }) : () -> ()
    %mul3A_27 = arith.constant 640 : i32
    %mul3A_28 = arith.muli %arg1, %mul3A_27 : i32
    %add3A_29 = arith.constant 384 : i32
    %add3A_30 = arith.addi %mul3A_28, %add3A_29 : i32
    %run_scoped3A_31 = arith.constant 0 : i32
    "tpu.region"() ({
      %run_scoped3A_272 = tpu.sem_alloc : memref<!tpu.dma_semaphore, #tpu.memory_space<semaphore_mem>>
      %dma_start3A_273 = arith.constant 0 : i32
      %dma_start3A_274 = arith.constant 0 : i32
      %dma_start3A_275 = tpu.memref_slice %arg14[%run_scoped3A_31, %dma_start3A_273, %dma_start3A_274] : memref<2x128x128xf32, #tpu.memory_space<vmem>> -> memref<1x128x128xf32, #tpu.memory_space<vmem>>
      %dma_start3A_276 = tpu.memref_squeeze %dma_start3A_275 : memref<1x128x128xf32, #tpu.memory_space<vmem>> -> memref<128x128xf32, #tpu.memory_space<vmem>>
      %dma_start3A_277 = arith.constant 0 : i32
      %dma_start3A_278 = tpu.memref_slice %arg15[%add3A_30, %dma_start3A_277] : memref<10240x128xf32, #tpu.memory_space<vmem_shared>> -> memref<128x128xf32, #tpu.memory_space<vmem_shared>>
      %dma_start3A_279 = arith.constant 0 : i32
      %dma_start3A_280 = tpu.memref_slice %arg15[%add3A_30, %dma_start3A_279] : memref<10240x128xf32, #tpu.memory_space<vmem_shared>> -> memref<128x128xf32, #tpu.memory_space<vmem_shared>>
      %dma_start3A_281 = arith.constant 0 : i32
      %dma_start3A_282 = arith.constant 0 : i32
      %dma_start3A_283 = tpu.memref_slice %arg14[%run_scoped3A_31, %dma_start3A_281, %dma_start3A_282] : memref<2x128x128xf32, #tpu.memory_space<vmem>> -> memref<1x128x128xf32, #tpu.memory_space<vmem>>
      %dma_start3A_284 = tpu.memref_squeeze %dma_start3A_283 : memref<1x128x128xf32, #tpu.memory_space<vmem>> -> memref<128x128xf32, #tpu.memory_space<vmem>>
      tpu.enqueue_dma source(%dma_start3A_284 : memref<128x128xf32, #tpu.memory_space<vmem>>) target(%dma_start3A_280 : memref<128x128xf32, #tpu.memory_space<vmem_shared>>) target_semaphore(%run_scoped3A_272 : memref<!tpu.dma_semaphore, #tpu.memory_space<semaphore_mem>>)
      %dma_wait3A_285 = arith.constant 0 : i32
      %dma_wait3A_286 = arith.constant 0 : i32
      %dma_wait3A_287 = tpu.memref_slice %arg14[%run_scoped3A_31, %dma_wait3A_285, %dma_wait3A_286] : memref<2x128x128xf32, #tpu.memory_space<vmem>> -> memref<1x128x128xf32, #tpu.memory_space<vmem>>
      %dma_wait3A_288 = tpu.memref_squeeze %dma_wait3A_287 : memref<1x128x128xf32, #tpu.memory_space<vmem>> -> memref<128x128xf32, #tpu.memory_space<vmem>>
      %dma_wait3A_289 = arith.constant 0 : i32
      %dma_wait3A_290 = tpu.memref_slice %arg15[%add3A_30, %dma_wait3A_289] : memref<10240x128xf32, #tpu.memory_space<vmem_shared>> -> memref<128x128xf32, #tpu.memory_space<vmem_shared>>
      %dma_wait3A_291 = arith.constant 0 : i32
      %dma_wait3A_292 = tpu.memref_slice %arg15[%add3A_30, %dma_wait3A_291] : memref<10240x128xf32, #tpu.memory_space<vmem_shared>> -> memref<128x128xf32, #tpu.memory_space<vmem_shared>>
      %dma_wait3A_293 = arith.constant 0 : i32
      %dma_wait3A_294 = arith.constant 0 : i32
      %dma_wait3A_295 = tpu.memref_slice %arg14[%run_scoped3A_31, %dma_wait3A_293, %dma_wait3A_294] : memref<2x128x128xf32, #tpu.memory_space<vmem>> -> memref<1x128x128xf32, #tpu.memory_space<vmem>>
      %dma_wait3A_296 = tpu.memref_squeeze %dma_wait3A_295 : memref<1x128x128xf32, #tpu.memory_space<vmem>> -> memref<128x128xf32, #tpu.memory_space<vmem>>
      tpu.wait_dma2 semaphore(%run_scoped3A_272 : memref<!tpu.dma_semaphore, #tpu.memory_space<semaphore_mem>>) src(%dma_wait3A_296 : memref<128x128xf32, #tpu.memory_space<vmem>>) dst(%dma_wait3A_292 : memref<128x128xf32, #tpu.memory_space<vmem_shared>>)
      tpu.yield
    }) : () -> ()
    %mul3A_32 = arith.constant 640 : i32
    %mul3A_33 = arith.muli %arg1, %mul3A_32 : i32
    %add3A_34 = arith.constant 512 : i32
    %add3A_35 = arith.addi %mul3A_33, %add3A_34 : i32
    %run_scoped3A_36 = arith.constant 0 : i32
    "tpu.region"() ({
      %run_scoped3A_272 = tpu.sem_alloc : memref<!tpu.dma_semaphore, #tpu.memory_space<semaphore_mem>>
      %dma_start3A_273 = arith.constant 0 : i32
      %dma_start3A_274 = arith.constant 0 : i32
      %dma_start3A_275 = tpu.memref_slice %arg14[%run_scoped3A_36, %dma_start3A_273, %dma_start3A_274] : memref<2x128x128xf32, #tpu.memory_space<vmem>> -> memref<1x128x128xf32, #tpu.memory_space<vmem>>
      %dma_start3A_276 = tpu.memref_squeeze %dma_start3A_275 : memref<1x128x128xf32, #tpu.memory_space<vmem>> -> memref<128x128xf32, #tpu.memory_space<vmem>>
      %dma_start3A_277 = arith.constant 0 : i32
      %dma_start3A_278 = tpu.memref_slice %arg15[%add3A_35, %dma_start3A_277] : memref<10240x128xf32, #tpu.memory_space<vmem_shared>> -> memref<128x128xf32, #tpu.memory_space<vmem_shared>>
      %dma_start3A_279 = arith.constant 0 : i32
      %dma_start3A_280 = tpu.memref_slice %arg15[%add3A_35, %dma_start3A_279] : memref<10240x128xf32, #tpu.memory_space<vmem_shared>> -> memref<128x128xf32, #tpu.memory_space<vmem_shared>>
      %dma_start3A_281 = arith.constant 0 : i32
      %dma_start3A_282 = arith.constant 0 : i32
      %dma_start3A_283 = tpu.memref_slice %arg14[%run_scoped3A_36, %dma_start3A_281, %dma_start3A_282] : memref<2x128x128xf32, #tpu.memory_space<vmem>> -> memref<1x128x128xf32, #tpu.memory_space<vmem>>
      %dma_start3A_284 = tpu.memref_squeeze %dma_start3A_283 : memref<1x128x128xf32, #tpu.memory_space<vmem>> -> memref<128x128xf32, #tpu.memory_space<vmem>>
      tpu.enqueue_dma source(%dma_start3A_284 : memref<128x128xf32, #tpu.memory_space<vmem>>) target(%dma_start3A_280 : memref<128x128xf32, #tpu.memory_space<vmem_shared>>) target_semaphore(%run_scoped3A_272 : memref<!tpu.dma_semaphore, #tpu.memory_space<semaphore_mem>>)
      %dma_wait3A_285 = arith.constant 0 : i32
      %dma_wait3A_286 = arith.constant 0 : i32
      %dma_wait3A_287 = tpu.memref_slice %arg14[%run_scoped3A_36, %dma_wait3A_285, %dma_wait3A_286] : memref<2x128x128xf32, #tpu.memory_space<vmem>> -> memref<1x128x128xf32, #tpu.memory_space<vmem>>
      %dma_wait3A_288 = tpu.memref_squeeze %dma_wait3A_287 : memref<1x128x128xf32, #tpu.memory_space<vmem>> -> memref<128x128xf32, #tpu.memory_space<vmem>>
      %dma_wait3A_289 = arith.constant 0 : i32
      %dma_wait3A_290 = tpu.memref_slice %arg15[%add3A_35, %dma_wait3A_289] : memref<10240x128xf32, #tpu.memory_space<vmem_shared>> -> memref<128x128xf32, #tpu.memory_space<vmem_shared>>
      %dma_wait3A_291 = arith.constant 0 : i32
      %dma_wait3A_292 = tpu.memref_slice %arg15[%add3A_35, %dma_wait3A_291] : memref<10240x128xf32, #tpu.memory_space<vmem_shared>> -> memref<128x128xf32, #tpu.memory_space<vmem_shared>>
      %dma_wait3A_293 = arith.constant 0 : i32
      %dma_wait3A_294 = arith.constant 0 : i32
      %dma_wait3A_295 = tpu.memref_slice %arg14[%run_scoped3A_36, %dma_wait3A_293, %dma_wait3A_294] : memref<2x128x128xf32, #tpu.memory_space<vmem>> -> memref<1x128x128xf32, #tpu.memory_space<vmem>>
      %dma_wait3A_296 = tpu.memref_squeeze %dma_wait3A_295 : memref<1x128x128xf32, #tpu.memory_space<vmem>> -> memref<128x128xf32, #tpu.memory_space<vmem>>
      tpu.wait_dma2 semaphore(%run_scoped3A_272 : memref<!tpu.dma_semaphore, #tpu.memory_space<semaphore_mem>>) src(%dma_wait3A_296 : memref<128x128xf32, #tpu.memory_space<vmem>>) dst(%dma_wait3A_292 : memref<128x128xf32, #tpu.memory_space<vmem_shared>>)
      tpu.yield
    }) : () -> ()
    %barrier3A = arith.constant 0 : index
    tpu.barrier barrier_id(%barrier3A)
    %add3A_37 = arith.constant 0 : i32
    %add3A_38 = arith.addi %mul3A_7, %add3A_37 : i32
    %dma_start3A = tpu.memref_slice %arg3[%add3A_38] : memref<327680xi32, #tpu.memory_space<hbm>> -> memref<128xi32, #tpu.memory_space<hbm>>
    %dma_start3A_39 = tpu.memref_slice %arg3[%add3A_38] : memref<327680xi32, #tpu.memory_space<hbm>> -> memref<128xi32, #tpu.memory_space<hbm>>
    tpu.enqueue_dma source(%dma_start3A_39 : memref<128xi32, #tpu.memory_space<hbm>>) target(%arg6 : memref<128xi32, #tpu.memory_space<vmem>>) target_semaphore(%arg20 : memref<!tpu.dma_semaphore, #tpu.memory_space<semaphore_mem>>)
    %dma_start3A_40 = tpu.memref_slice %arg4[%add3A_38] : memref<327680xi32, #tpu.memory_space<hbm>> -> memref<128xi32, #tpu.memory_space<hbm>>
    %dma_start3A_41 = tpu.memref_slice %arg4[%add3A_38] : memref<327680xi32, #tpu.memory_space<hbm>> -> memref<128xi32, #tpu.memory_space<hbm>>
    tpu.enqueue_dma source(%dma_start3A_41 : memref<128xi32, #tpu.memory_space<hbm>>) target(%arg10 : memref<128xi32, #tpu.memory_space<vmem>>) target_semaphore(%arg24 : memref<!tpu.dma_semaphore, #tpu.memory_space<semaphore_mem>>)
    %add3A_42 = arith.constant 128 : i32
    %add3A_43 = arith.addi %mul3A_7, %add3A_42 : i32
    %dma_start3A_44 = tpu.memref_slice %arg3[%add3A_43] : memref<327680xi32, #tpu.memory_space<hbm>> -> memref<128xi32, #tpu.memory_space<hbm>>
    %dma_start3A_45 = tpu.memref_slice %arg3[%add3A_43] : memref<327680xi32, #tpu.memory_space<hbm>> -> memref<128xi32, #tpu.memory_space<hbm>>
    tpu.enqueue_dma source(%dma_start3A_45 : memref<128xi32, #tpu.memory_space<hbm>>) target(%arg7 : memref<128xi32, #tpu.memory_space<vmem>>) target_semaphore(%arg21 : memref<!tpu.dma_semaphore, #tpu.memory_space<semaphore_mem>>)
    %dma_start3A_46 = tpu.memref_slice %arg4[%add3A_43] : memref<327680xi32, #tpu.memory_space<hbm>> -> memref<128xi32, #tpu.memory_space<hbm>>
    %dma_start3A_47 = tpu.memref_slice %arg4[%add3A_43] : memref<327680xi32, #tpu.memory_space<hbm>> -> memref<128xi32, #tpu.memory_space<hbm>>
    tpu.enqueue_dma source(%dma_start3A_47 : memref<128xi32, #tpu.memory_space<hbm>>) target(%arg11 : memref<128xi32, #tpu.memory_space<vmem>>) target_semaphore(%arg25 : memref<!tpu.dma_semaphore, #tpu.memory_space<semaphore_mem>>)
    %add3A_48 = arith.constant 256 : i32
    %add3A_49 = arith.addi %mul3A_7, %add3A_48 : i32
    %dma_start3A_50 = tpu.memref_slice %arg3[%add3A_49] : memref<327680xi32, #tpu.memory_space<hbm>> -> memref<128xi32, #tpu.memory_space<hbm>>
    %dma_start3A_51 = tpu.memref_slice %arg3[%add3A_49] : memref<327680xi32, #tpu.memory_space<hbm>> -> memref<128xi32, #tpu.memory_space<hbm>>
    tpu.enqueue_dma source(%dma_start3A_51 : memref<128xi32, #tpu.memory_space<hbm>>) target(%arg8 : memref<128xi32, #tpu.memory_space<vmem>>) target_semaphore(%arg22 : memref<!tpu.dma_semaphore, #tpu.memory_space<semaphore_mem>>)
    %dma_start3A_52 = tpu.memref_slice %arg4[%add3A_49] : memref<327680xi32, #tpu.memory_space<hbm>> -> memref<128xi32, #tpu.memory_space<hbm>>
    %dma_start3A_53 = tpu.memref_slice %arg4[%add3A_49] : memref<327680xi32, #tpu.memory_space<hbm>> -> memref<128xi32, #tpu.memory_space<hbm>>
    tpu.enqueue_dma source(%dma_start3A_53 : memref<128xi32, #tpu.memory_space<hbm>>) target(%arg12 : memref<128xi32, #tpu.memory_space<vmem>>) target_semaphore(%arg26 : memref<!tpu.dma_semaphore, #tpu.memory_space<semaphore_mem>>)
    %add3A_54 = arith.constant 0 : i32
    %add3A_55 = arith.addi %mul3A_7, %add3A_54 : i32
    %dma_wait3A = tpu.memref_slice %arg3[%add3A_55] : memref<327680xi32, #tpu.memory_space<hbm>> -> memref<128xi32, #tpu.memory_space<hbm>>
    %dma_wait3A_56 = tpu.memref_slice %arg3[%add3A_55] : memref<327680xi32, #tpu.memory_space<hbm>> -> memref<128xi32, #tpu.memory_space<hbm>>
    tpu.wait_dma2 semaphore(%arg20 : memref<!tpu.dma_semaphore, #tpu.memory_space<semaphore_mem>>) src(%dma_wait3A_56 : memref<128xi32, #tpu.memory_space<hbm>>) dst(%arg6 : memref<128xi32, #tpu.memory_space<vmem>>)
    %dma_wait3A_57 = tpu.memref_slice %arg4[%add3A_55] : memref<327680xi32, #tpu.memory_space<hbm>> -> memref<128xi32, #tpu.memory_space<hbm>>
    %dma_wait3A_58 = tpu.memref_slice %arg4[%add3A_55] : memref<327680xi32, #tpu.memory_space<hbm>> -> memref<128xi32, #tpu.memory_space<hbm>>
    tpu.wait_dma2 semaphore(%arg24 : memref<!tpu.dma_semaphore, #tpu.memory_space<semaphore_mem>>) src(%dma_wait3A_58 : memref<128xi32, #tpu.memory_space<hbm>>) dst(%arg10 : memref<128xi32, #tpu.memory_space<vmem>>)
    %dma_start3A_59 = arith.constant 0 : i32
    %dma_start3A_60 = arith.constant 0 : i32
    %dma_start3A_61 = arith.constant 0 : i32
    %dma_start3A_62 = tpu.memref_slice %arg14[%dma_start3A_59, %dma_start3A_60, %dma_start3A_61] : memref<2x128x128xf32, #tpu.memory_space<vmem>> -> memref<1x128x128xf32, #tpu.memory_space<vmem>>
    %dma_start3A_63 = tpu.memref_squeeze %dma_start3A_62 : memref<1x128x128xf32, #tpu.memory_space<vmem>> -> memref<128x128xf32, #tpu.memory_space<vmem>>
    %dma_start3A_64 = arith.constant 0 : i32
    %dma_start3A_65 = arith.constant 0 : i32
    %dma_start3A_66 = tpu.memref_slice %arg2[%dma_start3A_64, %dma_start3A_65] : memref<10240x128xf32, #tpu.memory_space<hbm>> -> memref<10240x128xf32, #tpu.memory_space<hbm>>
    tpu.enqueue_indirect_dma source(%dma_start3A_66 : memref<10240x128xf32, #tpu.memory_space<hbm>>) target(%dma_start3A_63 : memref<128x128xf32, #tpu.memory_space<vmem>>) offsets(%arg6 : memref<128xi32, #tpu.memory_space<vmem>>) semaphore(%arg16 : memref<!tpu.dma_semaphore, #tpu.memory_space<semaphore_mem>>)
    %dma_wait3A_67 = arith.constant 0 : i32
    %dma_wait3A_68 = arith.constant 0 : i32
    %dma_wait3A_69 = arith.constant 0 : i32
    %dma_wait3A_70 = tpu.memref_slice %arg14[%dma_wait3A_67, %dma_wait3A_68, %dma_wait3A_69] : memref<2x128x128xf32, #tpu.memory_space<vmem>> -> memref<1x128x128xf32, #tpu.memory_space<vmem>>
    %dma_wait3A_71 = tpu.memref_squeeze %dma_wait3A_70 : memref<1x128x128xf32, #tpu.memory_space<vmem>> -> memref<128x128xf32, #tpu.memory_space<vmem>>
    %dma_wait3A_72 = arith.constant 0 : i32
    %dma_wait3A_73 = arith.constant 0 : i32
    %dma_wait3A_74 = tpu.memref_slice %arg2[%dma_wait3A_72, %dma_wait3A_73] : memref<10240x128xf32, #tpu.memory_space<hbm>> -> memref<10240x128xf32, #tpu.memory_space<hbm>>
    tpu.wait_indirect_dma semaphore(%arg16 : memref<!tpu.dma_semaphore, #tpu.memory_space<semaphore_mem>>) src(%dma_wait3A_74 : memref<10240x128xf32, #tpu.memory_space<hbm>>) dst(%dma_wait3A_71 : memref<128x128xf32, #tpu.memory_space<vmem>>)
    %dma_start3A_75 = arith.constant 0 : i32
    %dma_start3A_76 = arith.constant 0 : i32
    %dma_start3A_77 = arith.constant 0 : i32
    %dma_start3A_78 = tpu.memref_slice %arg14[%dma_start3A_75, %dma_start3A_76, %dma_start3A_77] : memref<2x128x128xf32, #tpu.memory_space<vmem>> -> memref<1x128x128xf32, #tpu.memory_space<vmem>>
    %dma_start3A_79 = tpu.memref_squeeze %dma_start3A_78 : memref<1x128x128xf32, #tpu.memory_space<vmem>> -> memref<128x128xf32, #tpu.memory_space<vmem>>
    %dma_start3A_80 = arith.constant 0 : i32
    %dma_start3A_81 = arith.constant 0 : i32
    %dma_start3A_82 = tpu.memref_slice %arg15[%dma_start3A_80, %dma_start3A_81] : memref<10240x128xf32, #tpu.memory_space<vmem_shared>> -> memref<10240x128xf32, #tpu.memory_space<vmem_shared>>
    tpu.enqueue_indirect_dma source(%dma_start3A_79 : memref<128x128xf32, #tpu.memory_space<vmem>>) target(%dma_start3A_82 : memref<10240x128xf32, #tpu.memory_space<vmem_shared>>) offsets(%arg10 : memref<128xi32, #tpu.memory_space<vmem>>) semaphore(%arg18 : memref<!tpu.dma_semaphore, #tpu.memory_space<semaphore_mem>>) {add = true}
    %add3A_83 = arith.constant 128 : i32
    %add3A_84 = arith.addi %mul3A_7, %add3A_83 : i32
    %dma_wait3A_85 = tpu.memref_slice %arg3[%add3A_84] : memref<327680xi32, #tpu.memory_space<hbm>> -> memref<128xi32, #tpu.memory_space<hbm>>
    %dma_wait3A_86 = tpu.memref_slice %arg3[%add3A_84] : memref<327680xi32, #tpu.memory_space<hbm>> -> memref<128xi32, #tpu.memory_space<hbm>>
    tpu.wait_dma2 semaphore(%arg21 : memref<!tpu.dma_semaphore, #tpu.memory_space<semaphore_mem>>) src(%dma_wait3A_86 : memref<128xi32, #tpu.memory_space<hbm>>) dst(%arg7 : memref<128xi32, #tpu.memory_space<vmem>>)
    %dma_wait3A_87 = tpu.memref_slice %arg4[%add3A_84] : memref<327680xi32, #tpu.memory_space<hbm>> -> memref<128xi32, #tpu.memory_space<hbm>>
    %dma_wait3A_88 = tpu.memref_slice %arg4[%add3A_84] : memref<327680xi32, #tpu.memory_space<hbm>> -> memref<128xi32, #tpu.memory_space<hbm>>
    tpu.wait_dma2 semaphore(%arg25 : memref<!tpu.dma_semaphore, #tpu.memory_space<semaphore_mem>>) src(%dma_wait3A_88 : memref<128xi32, #tpu.memory_space<hbm>>) dst(%arg11 : memref<128xi32, #tpu.memory_space<vmem>>)
    %dma_start3A_89 = arith.constant 1 : i32
    %dma_start3A_90 = arith.constant 0 : i32
    %dma_start3A_91 = arith.constant 0 : i32
    %dma_start3A_92 = tpu.memref_slice %arg14[%dma_start3A_89, %dma_start3A_90, %dma_start3A_91] : memref<2x128x128xf32, #tpu.memory_space<vmem>> -> memref<1x128x128xf32, #tpu.memory_space<vmem>>
    %dma_start3A_93 = tpu.memref_squeeze %dma_start3A_92 : memref<1x128x128xf32, #tpu.memory_space<vmem>> -> memref<128x128xf32, #tpu.memory_space<vmem>>
    %dma_start3A_94 = arith.constant 0 : i32
    %dma_start3A_95 = arith.constant 0 : i32
    %dma_start3A_96 = tpu.memref_slice %arg2[%dma_start3A_94, %dma_start3A_95] : memref<10240x128xf32, #tpu.memory_space<hbm>> -> memref<10240x128xf32, #tpu.memory_space<hbm>>
    tpu.enqueue_indirect_dma source(%dma_start3A_96 : memref<10240x128xf32, #tpu.memory_space<hbm>>) target(%dma_start3A_93 : memref<128x128xf32, #tpu.memory_space<vmem>>) offsets(%arg7 : memref<128xi32, #tpu.memory_space<vmem>>) semaphore(%arg17 : memref<!tpu.dma_semaphore, #tpu.memory_space<semaphore_mem>>)
    %add3A_97 = arith.constant 384 : i32
    %add3A_98 = arith.addi %mul3A_7, %add3A_97 : i32
    %dma_start3A_99 = tpu.memref_slice %arg3[%add3A_98] : memref<327680xi32, #tpu.memory_space<hbm>> -> memref<128xi32, #tpu.memory_space<hbm>>
    %dma_start3A_100 = tpu.memref_slice %arg3[%add3A_98] : memref<327680xi32, #tpu.memory_space<hbm>> -> memref<128xi32, #tpu.memory_space<hbm>>
    tpu.enqueue_dma source(%dma_start3A_100 : memref<128xi32, #tpu.memory_space<hbm>>) target(%arg9 : memref<128xi32, #tpu.memory_space<vmem>>) target_semaphore(%arg23 : memref<!tpu.dma_semaphore, #tpu.memory_space<semaphore_mem>>)
    %dma_start3A_101 = tpu.memref_slice %arg4[%add3A_98] : memref<327680xi32, #tpu.memory_space<hbm>> -> memref<128xi32, #tpu.memory_space<hbm>>
    %dma_start3A_102 = tpu.memref_slice %arg4[%add3A_98] : memref<327680xi32, #tpu.memory_space<hbm>> -> memref<128xi32, #tpu.memory_space<hbm>>
    tpu.enqueue_dma source(%dma_start3A_102 : memref<128xi32, #tpu.memory_space<hbm>>) target(%arg13 : memref<128xi32, #tpu.memory_space<vmem>>) target_semaphore(%arg27 : memref<!tpu.dma_semaphore, #tpu.memory_space<semaphore_mem>>)
    %sub3A = arith.constant 4 : i32
    %sub3A_103 = arith.subi %select_n3A, %sub3A : i32
    %jit3A_104 = arith.constant 4 : i32
    %div3A = arith.divsi %sub3A_103, %jit3A_104 : i32
    %sign3A = arith.constant 0 : i32
    %sign3A_105 = arith.cmpi sgt, %sub3A_103, %sign3A : i32
    %sign3A_106 = arith.extui %sign3A_105 : i1 to i32
    %sign3A_107 = arith.constant 0 : i32
    %sign3A_108 = arith.cmpi slt, %sub3A_103, %sign3A_107 : i32
    %sign3A_109 = arith.extui %sign3A_108 : i1 to i32
    %sign3A_110 = arith.subi %sign3A_106, %sign3A_109 : i32
    %sign3A_111 = arith.constant 0 : i32
    %sign3A_112 = arith.cmpi sgt, %jit3A_104, %sign3A_111 : i32
    %sign3A_113 = arith.extui %sign3A_112 : i1 to i32
    %sign3A_114 = arith.constant 0 : i32
    %sign3A_115 = arith.cmpi slt, %jit3A_104, %sign3A_114 : i32
    %sign3A_116 = arith.extui %sign3A_115 : i1 to i32
    %sign3A_117 = arith.subi %sign3A_113, %sign3A_116 : i32
    %ne3A = arith.cmpi ne, %sign3A_110, %sign3A_117 : i32
    %rem3A = arith.remsi %sub3A_103, %jit3A_104 : i32
    %ne3A_118 = arith.constant 0 : i32
    %ne3A_119 = arith.cmpi ne, %rem3A, %ne3A_118 : i32
    %and3A = arith.andi %ne3A, %ne3A_119 : i1
    %sub3A_120 = arith.constant 1 : i32
    %sub3A_121 = arith.subi %div3A, %sub3A_120 : i32
    %select_n3A_122 = arith.select %and3A, %sub3A_121, %div3A : i32
    %while3A = arith.constant 0 : i32
    %while3A_123 = arith.subi %select_n3A_122, %while3A : i32
    %while3A_124 = arith.addi %while3A, %while3A_123 : i32
    %while3A_125 = arith.constant 1 : i32
    %while3A_126 = arith.divsi %while3A_123, %while3A_125 : i32
    %while3A_127 = arith.muli %while3A_126, %while3A_125 : i32
    %while3A_128 = arith.addi %while3A, %while3A_127 : i32
    %while3A_129 = arith.constant 1 : i32
    scf.for %while3A_272 = %while3A to %while3A_128 step %while3A_129  : i32 {
      %mul3A_273 = arith.constant 4 : i32
      %mul3A_274 = arith.muli %mul3A_273, %while3A_272 : i32
      %add3A_275 = arith.constant 1 : i32
      %add3A_276 = arith.addi %add3A_275, %mul3A_274 : i32
      %add3A_277 = arith.constant 0 : i32
      %add3A_278 = arith.addi %add3A_276, %add3A_277 : i32
      %dma_wait3A_279 = arith.constant 1 : i32
      %dma_wait3A_280 = arith.constant 0 : i32
      %dma_wait3A_281 = arith.constant 0 : i32
      %dma_wait3A_282 = tpu.memref_slice %arg14[%dma_wait3A_279, %dma_wait3A_280, %dma_wait3A_281] : memref<2x128x128xf32, #tpu.memory_space<vmem>> -> memref<1x128x128xf32, #tpu.memory_space<vmem>>
      %dma_wait3A_283 = tpu.memref_squeeze %dma_wait3A_282 : memref<1x128x128xf32, #tpu.memory_space<vmem>> -> memref<128x128xf32, #tpu.memory_space<vmem>>
      %dma_wait3A_284 = arith.constant 0 : i32
      %dma_wait3A_285 = arith.constant 0 : i32
      %dma_wait3A_286 = tpu.memref_slice %arg2[%dma_wait3A_284, %dma_wait3A_285] : memref<10240x128xf32, #tpu.memory_space<hbm>> -> memref<10240x128xf32, #tpu.memory_space<hbm>>
      tpu.wait_indirect_dma semaphore(%arg17 : memref<!tpu.dma_semaphore, #tpu.memory_space<semaphore_mem>>) src(%dma_wait3A_286 : memref<10240x128xf32, #tpu.memory_space<hbm>>) dst(%dma_wait3A_283 : memref<128x128xf32, #tpu.memory_space<vmem>>)
      %dma_wait3A_287 = arith.constant 0 : i32
      %dma_wait3A_288 = arith.constant 0 : i32
      %dma_wait3A_289 = arith.constant 0 : i32
      %dma_wait3A_290 = tpu.memref_slice %arg14[%dma_wait3A_287, %dma_wait3A_288, %dma_wait3A_289] : memref<2x128x128xf32, #tpu.memory_space<vmem>> -> memref<1x128x128xf32, #tpu.memory_space<vmem>>
      %dma_wait3A_291 = tpu.memref_squeeze %dma_wait3A_290 : memref<1x128x128xf32, #tpu.memory_space<vmem>> -> memref<128x128xf32, #tpu.memory_space<vmem>>
      %dma_wait3A_292 = arith.constant 0 : i32
      %dma_wait3A_293 = arith.constant 0 : i32
      %dma_wait3A_294 = tpu.memref_slice %arg15[%dma_wait3A_292, %dma_wait3A_293] : memref<10240x128xf32, #tpu.memory_space<vmem_shared>> -> memref<10240x128xf32, #tpu.memory_space<vmem_shared>>
      tpu.wait_indirect_dma semaphore(%arg18 : memref<!tpu.dma_semaphore, #tpu.memory_space<semaphore_mem>>) src(%dma_wait3A_291 : memref<128x128xf32, #tpu.memory_space<vmem>>) dst(%dma_wait3A_294 : memref<10240x128xf32, #tpu.memory_space<vmem_shared>>)
      %dma_start3A_295 = arith.constant 1 : i32
      %dma_start3A_296 = arith.constant 0 : i32
      %dma_start3A_297 = arith.constant 0 : i32
      %dma_start3A_298 = tpu.memref_slice %arg14[%dma_start3A_295, %dma_start3A_296, %dma_start3A_297] : memref<2x128x128xf32, #tpu.memory_space<vmem>> -> memref<1x128x128xf32, #tpu.memory_space<vmem>>
      %dma_start3A_299 = tpu.memref_squeeze %dma_start3A_298 : memref<1x128x128xf32, #tpu.memory_space<vmem>> -> memref<128x128xf32, #tpu.memory_space<vmem>>
      %dma_start3A_300 = arith.constant 0 : i32
      %dma_start3A_301 = arith.constant 0 : i32
      %dma_start3A_302 = tpu.memref_slice %arg15[%dma_start3A_300, %dma_start3A_301] : memref<10240x128xf32, #tpu.memory_space<vmem_shared>> -> memref<10240x128xf32, #tpu.memory_space<vmem_shared>>
      tpu.enqueue_indirect_dma source(%dma_start3A_299 : memref<128x128xf32, #tpu.memory_space<vmem>>) target(%dma_start3A_302 : memref<10240x128xf32, #tpu.memory_space<vmem_shared>>) offsets(%arg11 : memref<128xi32, #tpu.memory_space<vmem>>) semaphore(%arg19 : memref<!tpu.dma_semaphore, #tpu.memory_space<semaphore_mem>>) {add = true}
      %add3A_303 = arith.constant 1 : i32
      %add3A_304 = arith.addi %add3A_278, %add3A_303 : i32
      %mul3A_305 = arith.constant 128 : i32
      %mul3A_306 = arith.muli %add3A_304, %mul3A_305 : i32
      %add3A_307 = arith.addi %mul3A_7, %mul3A_306 : i32
      %dma_wait3A_308 = tpu.memref_slice %arg3[%add3A_307] : memref<327680xi32, #tpu.memory_space<hbm>> -> memref<128xi32, #tpu.memory_space<hbm>>
      %dma_wait3A_309 = tpu.memref_slice %arg3[%add3A_307] : memref<327680xi32, #tpu.memory_space<hbm>> -> memref<128xi32, #tpu.memory_space<hbm>>
      tpu.wait_dma2 semaphore(%arg22 : memref<!tpu.dma_semaphore, #tpu.memory_space<semaphore_mem>>) src(%dma_wait3A_309 : memref<128xi32, #tpu.memory_space<hbm>>) dst(%arg8 : memref<128xi32, #tpu.memory_space<vmem>>)
      %dma_wait3A_310 = tpu.memref_slice %arg4[%add3A_307] : memref<327680xi32, #tpu.memory_space<hbm>> -> memref<128xi32, #tpu.memory_space<hbm>>
      %dma_wait3A_311 = tpu.memref_slice %arg4[%add3A_307] : memref<327680xi32, #tpu.memory_space<hbm>> -> memref<128xi32, #tpu.memory_space<hbm>>
      tpu.wait_dma2 semaphore(%arg26 : memref<!tpu.dma_semaphore, #tpu.memory_space<semaphore_mem>>) src(%dma_wait3A_311 : memref<128xi32, #tpu.memory_space<hbm>>) dst(%arg12 : memref<128xi32, #tpu.memory_space<vmem>>)
      %dma_start3A_312 = arith.constant 0 : i32
      %dma_start3A_313 = arith.constant 0 : i32
      %dma_start3A_314 = arith.constant 0 : i32
      %dma_start3A_315 = tpu.memref_slice %arg14[%dma_start3A_312, %dma_start3A_313, %dma_start3A_314] : memref<2x128x128xf32, #tpu.memory_space<vmem>> -> memref<1x128x128xf32, #tpu.memory_space<vmem>>
      %dma_start3A_316 = tpu.memref_squeeze %dma_start3A_315 : memref<1x128x128xf32, #tpu.memory_space<vmem>> -> memref<128x128xf32, #tpu.memory_space<vmem>>
      %dma_start3A_317 = arith.constant 0 : i32
      %dma_start3A_318 = arith.constant 0 : i32
      %dma_start3A_319 = tpu.memref_slice %arg2[%dma_start3A_317, %dma_start3A_318] : memref<10240x128xf32, #tpu.memory_space<hbm>> -> memref<10240x128xf32, #tpu.memory_space<hbm>>
      tpu.enqueue_indirect_dma source(%dma_start3A_319 : memref<10240x128xf32, #tpu.memory_space<hbm>>) target(%dma_start3A_316 : memref<128x128xf32, #tpu.memory_space<vmem>>) offsets(%arg8 : memref<128xi32, #tpu.memory_space<vmem>>) semaphore(%arg16 : memref<!tpu.dma_semaphore, #tpu.memory_space<semaphore_mem>>)
      %add3A_320 = arith.constant 3 : i32
      %add3A_321 = arith.addi %add3A_278, %add3A_320 : i32
      %mul3A_322 = arith.constant 128 : i32
      %mul3A_323 = arith.muli %add3A_321, %mul3A_322 : i32
      %add3A_324 = arith.addi %mul3A_7, %mul3A_323 : i32
      %dma_start3A_325 = tpu.memref_slice %arg3[%add3A_324] : memref<327680xi32, #tpu.memory_space<hbm>> -> memref<128xi32, #tpu.memory_space<hbm>>
      %dma_start3A_326 = tpu.memref_slice %arg3[%add3A_324] : memref<327680xi32, #tpu.memory_space<hbm>> -> memref<128xi32, #tpu.memory_space<hbm>>
      tpu.enqueue_dma source(%dma_start3A_326 : memref<128xi32, #tpu.memory_space<hbm>>) target(%arg6 : memref<128xi32, #tpu.memory_space<vmem>>) target_semaphore(%arg20 : memref<!tpu.dma_semaphore, #tpu.memory_space<semaphore_mem>>)
      %dma_start3A_327 = tpu.memref_slice %arg4[%add3A_324] : memref<327680xi32, #tpu.memory_space<hbm>> -> memref<128xi32, #tpu.memory_space<hbm>>
      %dma_start3A_328 = tpu.memref_slice %arg4[%add3A_324] : memref<327680xi32, #tpu.memory_space<hbm>> -> memref<128xi32, #tpu.memory_space<hbm>>
      tpu.enqueue_dma source(%dma_start3A_328 : memref<128xi32, #tpu.memory_space<hbm>>) target(%arg10 : memref<128xi32, #tpu.memory_space<vmem>>) target_semaphore(%arg24 : memref<!tpu.dma_semaphore, #tpu.memory_space<semaphore_mem>>)
      %mul3A_329 = arith.constant 4 : i32
      %mul3A_330 = arith.muli %mul3A_329, %while3A_272 : i32
      %add3A_331 = arith.constant 1 : i32
      %add3A_332 = arith.addi %add3A_331, %mul3A_330 : i32
      %add3A_333 = arith.constant 1 : i32
      %add3A_334 = arith.addi %add3A_332, %add3A_333 : i32
      %dma_wait3A_335 = arith.constant 0 : i32
      %dma_wait3A_336 = arith.constant 0 : i32
      %dma_wait3A_337 = arith.constant 0 : i32
      %dma_wait3A_338 = tpu.memref_slice %arg14[%dma_wait3A_335, %dma_wait3A_336, %dma_wait3A_337] : memref<2x128x128xf32, #tpu.memory_space<vmem>> -> memref<1x128x128xf32, #tpu.memory_space<vmem>>
      %dma_wait3A_339 = tpu.memref_squeeze %dma_wait3A_338 : memref<1x128x128xf32, #tpu.memory_space<vmem>> -> memref<128x128xf32, #tpu.memory_space<vmem>>
      %dma_wait3A_340 = arith.constant 0 : i32
      %dma_wait3A_341 = arith.constant 0 : i32
      %dma_wait3A_342 = tpu.memref_slice %arg2[%dma_wait3A_340, %dma_wait3A_341] : memref<10240x128xf32, #tpu.memory_space<hbm>> -> memref<10240x128xf32, #tpu.memory_space<hbm>>
      tpu.wait_indirect_dma semaphore(%arg16 : memref<!tpu.dma_semaphore, #tpu.memory_space<semaphore_mem>>) src(%dma_wait3A_342 : memref<10240x128xf32, #tpu.memory_space<hbm>>) dst(%dma_wait3A_339 : memref<128x128xf32, #tpu.memory_space<vmem>>)
      %dma_wait3A_343 = arith.constant 1 : i32
      %dma_wait3A_344 = arith.constant 0 : i32
      %dma_wait3A_345 = arith.constant 0 : i32
      %dma_wait3A_346 = tpu.memref_slice %arg14[%dma_wait3A_343, %dma_wait3A_344, %dma_wait3A_345] : memref<2x128x128xf32, #tpu.memory_space<vmem>> -> memref<1x128x128xf32, #tpu.memory_space<vmem>>
      %dma_wait3A_347 = tpu.memref_squeeze %dma_wait3A_346 : memref<1x128x128xf32, #tpu.memory_space<vmem>> -> memref<128x128xf32, #tpu.memory_space<vmem>>
      %dma_wait3A_348 = arith.constant 0 : i32
      %dma_wait3A_349 = arith.constant 0 : i32
      %dma_wait3A_350 = tpu.memref_slice %arg15[%dma_wait3A_348, %dma_wait3A_349] : memref<10240x128xf32, #tpu.memory_space<vmem_shared>> -> memref<10240x128xf32, #tpu.memory_space<vmem_shared>>
      tpu.wait_indirect_dma semaphore(%arg19 : memref<!tpu.dma_semaphore, #tpu.memory_space<semaphore_mem>>) src(%dma_wait3A_347 : memref<128x128xf32, #tpu.memory_space<vmem>>) dst(%dma_wait3A_350 : memref<10240x128xf32, #tpu.memory_space<vmem_shared>>)
      %dma_start3A_351 = arith.constant 0 : i32
      %dma_start3A_352 = arith.constant 0 : i32
      %dma_start3A_353 = arith.constant 0 : i32
      %dma_start3A_354 = tpu.memref_slice %arg14[%dma_start3A_351, %dma_start3A_352, %dma_start3A_353] : memref<2x128x128xf32, #tpu.memory_space<vmem>> -> memref<1x128x128xf32, #tpu.memory_space<vmem>>
      %dma_start3A_355 = tpu.memref_squeeze %dma_start3A_354 : memref<1x128x128xf32, #tpu.memory_space<vmem>> -> memref<128x128xf32, #tpu.memory_space<vmem>>
      %dma_start3A_356 = arith.constant 0 : i32
      %dma_start3A_357 = arith.constant 0 : i32
      %dma_start3A_358 = tpu.memref_slice %arg15[%dma_start3A_356, %dma_start3A_357] : memref<10240x128xf32, #tpu.memory_space<vmem_shared>> -> memref<10240x128xf32, #tpu.memory_space<vmem_shared>>
      tpu.enqueue_indirect_dma source(%dma_start3A_355 : memref<128x128xf32, #tpu.memory_space<vmem>>) target(%dma_start3A_358 : memref<10240x128xf32, #tpu.memory_space<vmem_shared>>) offsets(%arg12 : memref<128xi32, #tpu.memory_space<vmem>>) semaphore(%arg18 : memref<!tpu.dma_semaphore, #tpu.memory_space<semaphore_mem>>) {add = true}
      %add3A_359 = arith.constant 1 : i32
      %add3A_360 = arith.addi %add3A_334, %add3A_359 : i32
      %mul3A_361 = arith.constant 128 : i32
      %mul3A_362 = arith.muli %add3A_360, %mul3A_361 : i32
      %add3A_363 = arith.addi %mul3A_7, %mul3A_362 : i32
      %dma_wait3A_364 = tpu.memref_slice %arg3[%add3A_363] : memref<327680xi32, #tpu.memory_space<hbm>> -> memref<128xi32, #tpu.memory_space<hbm>>
      %dma_wait3A_365 = tpu.memref_slice %arg3[%add3A_363] : memref<327680xi32, #tpu.memory_space<hbm>> -> memref<128xi32, #tpu.memory_space<hbm>>
      tpu.wait_dma2 semaphore(%arg23 : memref<!tpu.dma_semaphore, #tpu.memory_space<semaphore_mem>>) src(%dma_wait3A_365 : memref<128xi32, #tpu.memory_space<hbm>>) dst(%arg9 : memref<128xi32, #tpu.memory_space<vmem>>)
      %dma_wait3A_366 = tpu.memref_slice %arg4[%add3A_363] : memref<327680xi32, #tpu.memory_space<hbm>> -> memref<128xi32, #tpu.memory_space<hbm>>
      %dma_wait3A_367 = tpu.memref_slice %arg4[%add3A_363] : memref<327680xi32, #tpu.memory_space<hbm>> -> memref<128xi32, #tpu.memory_space<hbm>>
      tpu.wait_dma2 semaphore(%arg27 : memref<!tpu.dma_semaphore, #tpu.memory_space<semaphore_mem>>) src(%dma_wait3A_367 : memref<128xi32, #tpu.memory_space<hbm>>) dst(%arg13 : memref<128xi32, #tpu.memory_space<vmem>>)
      %dma_start3A_368 = arith.constant 1 : i32
      %dma_start3A_369 = arith.constant 0 : i32
      %dma_start3A_370 = arith.constant 0 : i32
      %dma_start3A_371 = tpu.memref_slice %arg14[%dma_start3A_368, %dma_start3A_369, %dma_start3A_370] : memref<2x128x128xf32, #tpu.memory_space<vmem>> -> memref<1x128x128xf32, #tpu.memory_space<vmem>>
      %dma_start3A_372 = tpu.memref_squeeze %dma_start3A_371 : memref<1x128x128xf32, #tpu.memory_space<vmem>> -> memref<128x128xf32, #tpu.memory_space<vmem>>
      %dma_start3A_373 = arith.constant 0 : i32
      %dma_start3A_374 = arith.constant 0 : i32
      %dma_start3A_375 = tpu.memref_slice %arg2[%dma_start3A_373, %dma_start3A_374] : memref<10240x128xf32, #tpu.memory_space<hbm>> -> memref<10240x128xf32, #tpu.memory_space<hbm>>
      tpu.enqueue_indirect_dma source(%dma_start3A_375 : memref<10240x128xf32, #tpu.memory_space<hbm>>) target(%dma_start3A_372 : memref<128x128xf32, #tpu.memory_space<vmem>>) offsets(%arg9 : memref<128xi32, #tpu.memory_space<vmem>>) semaphore(%arg17 : memref<!tpu.dma_semaphore, #tpu.memory_space<semaphore_mem>>)
      %add3A_376 = arith.constant 3 : i32
      %add3A_377 = arith.addi %add3A_334, %add3A_376 : i32
      %mul3A_378 = arith.constant 128 : i32
      %mul3A_379 = arith.muli %add3A_377, %mul3A_378 : i32
      %add3A_380 = arith.addi %mul3A_7, %mul3A_379 : i32
      %dma_start3A_381 = tpu.memref_slice %arg3[%add3A_380] : memref<327680xi32, #tpu.memory_space<hbm>> -> memref<128xi32, #tpu.memory_space<hbm>>
      %dma_start3A_382 = tpu.memref_slice %arg3[%add3A_380] : memref<327680xi32, #tpu.memory_space<hbm>> -> memref<128xi32, #tpu.memory_space<hbm>>
      tpu.enqueue_dma source(%dma_start3A_382 : memref<128xi32, #tpu.memory_space<hbm>>) target(%arg7 : memref<128xi32, #tpu.memory_space<vmem>>) target_semaphore(%arg21 : memref<!tpu.dma_semaphore, #tpu.memory_space<semaphore_mem>>)
      %dma_start3A_383 = tpu.memref_slice %arg4[%add3A_380] : memref<327680xi32, #tpu.memory_space<hbm>> -> memref<128xi32, #tpu.memory_space<hbm>>
      %dma_start3A_384 = tpu.memref_slice %arg4[%add3A_380] : memref<327680xi32, #tpu.memory_space<hbm>> -> memref<128xi32, #tpu.memory_space<hbm>>
      tpu.enqueue_dma source(%dma_start3A_384 : memref<128xi32, #tpu.memory_space<hbm>>) target(%arg11 : memref<128xi32, #tpu.memory_space<vmem>>) target_semaphore(%arg25 : memref<!tpu.dma_semaphore, #tpu.memory_space<semaphore_mem>>)
      %mul3A_385 = arith.constant 4 : i32
      %mul3A_386 = arith.muli %mul3A_385, %while3A_272 : i32
      %add3A_387 = arith.constant 1 : i32
      %add3A_388 = arith.addi %add3A_387, %mul3A_386 : i32
      %add3A_389 = arith.constant 2 : i32
      %add3A_390 = arith.addi %add3A_388, %add3A_389 : i32
      %dma_wait3A_391 = arith.constant 1 : i32
      %dma_wait3A_392 = arith.constant 0 : i32
      %dma_wait3A_393 = arith.constant 0 : i32
      %dma_wait3A_394 = tpu.memref_slice %arg14[%dma_wait3A_391, %dma_wait3A_392, %dma_wait3A_393] : memref<2x128x128xf32, #tpu.memory_space<vmem>> -> memref<1x128x128xf32, #tpu.memory_space<vmem>>
      %dma_wait3A_395 = tpu.memref_squeeze %dma_wait3A_394 : memref<1x128x128xf32, #tpu.memory_space<vmem>> -> memref<128x128xf32, #tpu.memory_space<vmem>>
      %dma_wait3A_396 = arith.constant 0 : i32
      %dma_wait3A_397 = arith.constant 0 : i32
      %dma_wait3A_398 = tpu.memref_slice %arg2[%dma_wait3A_396, %dma_wait3A_397] : memref<10240x128xf32, #tpu.memory_space<hbm>> -> memref<10240x128xf32, #tpu.memory_space<hbm>>
      tpu.wait_indirect_dma semaphore(%arg17 : memref<!tpu.dma_semaphore, #tpu.memory_space<semaphore_mem>>) src(%dma_wait3A_398 : memref<10240x128xf32, #tpu.memory_space<hbm>>) dst(%dma_wait3A_395 : memref<128x128xf32, #tpu.memory_space<vmem>>)
      %dma_wait3A_399 = arith.constant 0 : i32
      %dma_wait3A_400 = arith.constant 0 : i32
      %dma_wait3A_401 = arith.constant 0 : i32
      %dma_wait3A_402 = tpu.memref_slice %arg14[%dma_wait3A_399, %dma_wait3A_400, %dma_wait3A_401] : memref<2x128x128xf32, #tpu.memory_space<vmem>> -> memref<1x128x128xf32, #tpu.memory_space<vmem>>
      %dma_wait3A_403 = tpu.memref_squeeze %dma_wait3A_402 : memref<1x128x128xf32, #tpu.memory_space<vmem>> -> memref<128x128xf32, #tpu.memory_space<vmem>>
      %dma_wait3A_404 = arith.constant 0 : i32
      %dma_wait3A_405 = arith.constant 0 : i32
      %dma_wait3A_406 = tpu.memref_slice %arg15[%dma_wait3A_404, %dma_wait3A_405] : memref<10240x128xf32, #tpu.memory_space<vmem_shared>> -> memref<10240x128xf32, #tpu.memory_space<vmem_shared>>
      tpu.wait_indirect_dma semaphore(%arg18 : memref<!tpu.dma_semaphore, #tpu.memory_space<semaphore_mem>>) src(%dma_wait3A_403 : memref<128x128xf32, #tpu.memory_space<vmem>>) dst(%dma_wait3A_406 : memref<10240x128xf32, #tpu.memory_space<vmem_shared>>)
      %dma_start3A_407 = arith.constant 1 : i32
      %dma_start3A_408 = arith.constant 0 : i32
      %dma_start3A_409 = arith.constant 0 : i32
      %dma_start3A_410 = tpu.memref_slice %arg14[%dma_start3A_407, %dma_start3A_408, %dma_start3A_409] : memref<2x128x128xf32, #tpu.memory_space<vmem>> -> memref<1x128x128xf32, #tpu.memory_space<vmem>>
      %dma_start3A_411 = tpu.memref_squeeze %dma_start3A_410 : memref<1x128x128xf32, #tpu.memory_space<vmem>> -> memref<128x128xf32, #tpu.memory_space<vmem>>
      %dma_start3A_412 = arith.constant 0 : i32
      %dma_start3A_413 = arith.constant 0 : i32
      %dma_start3A_414 = tpu.memref_slice %arg15[%dma_start3A_412, %dma_start3A_413] : memref<10240x128xf32, #tpu.memory_space<vmem_shared>> -> memref<10240x128xf32, #tpu.memory_space<vmem_shared>>
      tpu.enqueue_indirect_dma source(%dma_start3A_411 : memref<128x128xf32, #tpu.memory_space<vmem>>) target(%dma_start3A_414 : memref<10240x128xf32, #tpu.memory_space<vmem_shared>>) offsets(%arg13 : memref<128xi32, #tpu.memory_space<vmem>>) semaphore(%arg19 : memref<!tpu.dma_semaphore, #tpu.memory_space<semaphore_mem>>) {add = true}
      %add3A_415 = arith.constant 1 : i32
      %add3A_416 = arith.addi %add3A_390, %add3A_415 : i32
      %mul3A_417 = arith.constant 128 : i32
      %mul3A_418 = arith.muli %add3A_416, %mul3A_417 : i32
      %add3A_419 = arith.addi %mul3A_7, %mul3A_418 : i32
      %dma_wait3A_420 = tpu.memref_slice %arg3[%add3A_419] : memref<327680xi32, #tpu.memory_space<hbm>> -> memref<128xi32, #tpu.memory_space<hbm>>
      %dma_wait3A_421 = tpu.memref_slice %arg3[%add3A_419] : memref<327680xi32, #tpu.memory_space<hbm>> -> memref<128xi32, #tpu.memory_space<hbm>>
      tpu.wait_dma2 semaphore(%arg20 : memref<!tpu.dma_semaphore, #tpu.memory_space<semaphore_mem>>) src(%dma_wait3A_421 : memref<128xi32, #tpu.memory_space<hbm>>) dst(%arg6 : memref<128xi32, #tpu.memory_space<vmem>>)
      %dma_wait3A_422 = tpu.memref_slice %arg4[%add3A_419] : memref<327680xi32, #tpu.memory_space<hbm>> -> memref<128xi32, #tpu.memory_space<hbm>>
      %dma_wait3A_423 = tpu.memref_slice %arg4[%add3A_419] : memref<327680xi32, #tpu.memory_space<hbm>> -> memref<128xi32, #tpu.memory_space<hbm>>
      tpu.wait_dma2 semaphore(%arg24 : memref<!tpu.dma_semaphore, #tpu.memory_space<semaphore_mem>>) src(%dma_wait3A_423 : memref<128xi32, #tpu.memory_space<hbm>>) dst(%arg10 : memref<128xi32, #tpu.memory_space<vmem>>)
      %dma_start3A_424 = arith.constant 0 : i32
      %dma_start3A_425 = arith.constant 0 : i32
      %dma_start3A_426 = arith.constant 0 : i32
      %dma_start3A_427 = tpu.memref_slice %arg14[%dma_start3A_424, %dma_start3A_425, %dma_start3A_426] : memref<2x128x128xf32, #tpu.memory_space<vmem>> -> memref<1x128x128xf32, #tpu.memory_space<vmem>>
      %dma_start3A_428 = tpu.memref_squeeze %dma_start3A_427 : memref<1x128x128xf32, #tpu.memory_space<vmem>> -> memref<128x128xf32, #tpu.memory_space<vmem>>
      %dma_start3A_429 = arith.constant 0 : i32
      %dma_start3A_430 = arith.constant 0 : i32
      %dma_start3A_431 = tpu.memref_slice %arg2[%dma_start3A_429, %dma_start3A_430] : memref<10240x128xf32, #tpu.memory_space<hbm>> -> memref<10240x128xf32, #tpu.memory_space<hbm>>
      tpu.enqueue_indirect_dma source(%dma_start3A_431 : memref<10240x128xf32, #tpu.memory_space<hbm>>) target(%dma_start3A_428 : memref<128x128xf32, #tpu.memory_space<vmem>>) offsets(%arg6 : memref<128xi32, #tpu.memory_space<vmem>>) semaphore(%arg16 : memref<!tpu.dma_semaphore, #tpu.memory_space<semaphore_mem>>)
      %add3A_432 = arith.constant 3 : i32
      %add3A_433 = arith.addi %add3A_390, %add3A_432 : i32
      %mul3A_434 = arith.constant 128 : i32
      %mul3A_435 = arith.muli %add3A_433, %mul3A_434 : i32
      %add3A_436 = arith.addi %mul3A_7, %mul3A_435 : i32
      %dma_start3A_437 = tpu.memref_slice %arg3[%add3A_436] : memref<327680xi32, #tpu.memory_space<hbm>> -> memref<128xi32, #tpu.memory_space<hbm>>
      %dma_start3A_438 = tpu.memref_slice %arg3[%add3A_436] : memref<327680xi32, #tpu.memory_space<hbm>> -> memref<128xi32, #tpu.memory_space<hbm>>
      tpu.enqueue_dma source(%dma_start3A_438 : memref<128xi32, #tpu.memory_space<hbm>>) target(%arg8 : memref<128xi32, #tpu.memory_space<vmem>>) target_semaphore(%arg22 : memref<!tpu.dma_semaphore, #tpu.memory_space<semaphore_mem>>)
      %dma_start3A_439 = tpu.memref_slice %arg4[%add3A_436] : memref<327680xi32, #tpu.memory_space<hbm>> -> memref<128xi32, #tpu.memory_space<hbm>>
      %dma_start3A_440 = tpu.memref_slice %arg4[%add3A_436] : memref<327680xi32, #tpu.memory_space<hbm>> -> memref<128xi32, #tpu.memory_space<hbm>>
      tpu.enqueue_dma source(%dma_start3A_440 : memref<128xi32, #tpu.memory_space<hbm>>) target(%arg12 : memref<128xi32, #tpu.memory_space<vmem>>) target_semaphore(%arg26 : memref<!tpu.dma_semaphore, #tpu.memory_space<semaphore_mem>>)
      %mul3A_441 = arith.constant 4 : i32
      %mul3A_442 = arith.muli %mul3A_441, %while3A_272 : i32
      %add3A_443 = arith.constant 1 : i32
      %add3A_444 = arith.addi %add3A_443, %mul3A_442 : i32
      %add3A_445 = arith.constant 3 : i32
      %add3A_446 = arith.addi %add3A_444, %add3A_445 : i32
      %dma_wait3A_447 = arith.constant 0 : i32
      %dma_wait3A_448 = arith.constant 0 : i32
      %dma_wait3A_449 = arith.constant 0 : i32
      %dma_wait3A_450 = tpu.memref_slice %arg14[%dma_wait3A_447, %dma_wait3A_448, %dma_wait3A_449] : memref<2x128x128xf32, #tpu.memory_space<vmem>> -> memref<1x128x128xf32, #tpu.memory_space<vmem>>
      %dma_wait3A_451 = tpu.memref_squeeze %dma_wait3A_450 : memref<1x128x128xf32, #tpu.memory_space<vmem>> -> memref<128x128xf32, #tpu.memory_space<vmem>>
      %dma_wait3A_452 = arith.constant 0 : i32
      %dma_wait3A_453 = arith.constant 0 : i32
      %dma_wait3A_454 = tpu.memref_slice %arg2[%dma_wait3A_452, %dma_wait3A_453] : memref<10240x128xf32, #tpu.memory_space<hbm>> -> memref<10240x128xf32, #tpu.memory_space<hbm>>
      tpu.wait_indirect_dma semaphore(%arg16 : memref<!tpu.dma_semaphore, #tpu.memory_space<semaphore_mem>>) src(%dma_wait3A_454 : memref<10240x128xf32, #tpu.memory_space<hbm>>) dst(%dma_wait3A_451 : memref<128x128xf32, #tpu.memory_space<vmem>>)
      %dma_wait3A_455 = arith.constant 1 : i32
      %dma_wait3A_456 = arith.constant 0 : i32
      %dma_wait3A_457 = arith.constant 0 : i32
      %dma_wait3A_458 = tpu.memref_slice %arg14[%dma_wait3A_455, %dma_wait3A_456, %dma_wait3A_457] : memref<2x128x128xf32, #tpu.memory_space<vmem>> -> memref<1x128x128xf32, #tpu.memory_space<vmem>>
      %dma_wait3A_459 = tpu.memref_squeeze %dma_wait3A_458 : memref<1x128x128xf32, #tpu.memory_space<vmem>> -> memref<128x128xf32, #tpu.memory_space<vmem>>
      %dma_wait3A_460 = arith.constant 0 : i32
      %dma_wait3A_461 = arith.constant 0 : i32
      %dma_wait3A_462 = tpu.memref_slice %arg15[%dma_wait3A_460, %dma_wait3A_461] : memref<10240x128xf32, #tpu.memory_space<vmem_shared>> -> memref<10240x128xf32, #tpu.memory_space<vmem_shared>>
      tpu.wait_indirect_dma semaphore(%arg19 : memref<!tpu.dma_semaphore, #tpu.memory_space<semaphore_mem>>) src(%dma_wait3A_459 : memref<128x128xf32, #tpu.memory_space<vmem>>) dst(%dma_wait3A_462 : memref<10240x128xf32, #tpu.memory_space<vmem_shared>>)
      %dma_start3A_463 = arith.constant 0 : i32
      %dma_start3A_464 = arith.constant 0 : i32
      %dma_start3A_465 = arith.constant 0 : i32
      %dma_start3A_466 = tpu.memref_slice %arg14[%dma_start3A_463, %dma_start3A_464, %dma_start3A_465] : memref<2x128x128xf32, #tpu.memory_space<vmem>> -> memref<1x128x128xf32, #tpu.memory_space<vmem>>
      %dma_start3A_467 = tpu.memref_squeeze %dma_start3A_466 : memref<1x128x128xf32, #tpu.memory_space<vmem>> -> memref<128x128xf32, #tpu.memory_space<vmem>>
      %dma_start3A_468 = arith.constant 0 : i32
      %dma_start3A_469 = arith.constant 0 : i32
      %dma_start3A_470 = tpu.memref_slice %arg15[%dma_start3A_468, %dma_start3A_469] : memref<10240x128xf32, #tpu.memory_space<vmem_shared>> -> memref<10240x128xf32, #tpu.memory_space<vmem_shared>>
      tpu.enqueue_indirect_dma source(%dma_start3A_467 : memref<128x128xf32, #tpu.memory_space<vmem>>) target(%dma_start3A_470 : memref<10240x128xf32, #tpu.memory_space<vmem_shared>>) offsets(%arg10 : memref<128xi32, #tpu.memory_space<vmem>>) semaphore(%arg18 : memref<!tpu.dma_semaphore, #tpu.memory_space<semaphore_mem>>) {add = true}
      %add3A_471 = arith.constant 1 : i32
      %add3A_472 = arith.addi %add3A_446, %add3A_471 : i32
      %mul3A_473 = arith.constant 128 : i32
      %mul3A_474 = arith.muli %add3A_472, %mul3A_473 : i32
      %add3A_475 = arith.addi %mul3A_7, %mul3A_474 : i32
      %dma_wait3A_476 = tpu.memref_slice %arg3[%add3A_475] : memref<327680xi32, #tpu.memory_space<hbm>> -> memref<128xi32, #tpu.memory_space<hbm>>
      %dma_wait3A_477 = tpu.memref_slice %arg3[%add3A_475] : memref<327680xi32, #tpu.memory_space<hbm>> -> memref<128xi32, #tpu.memory_space<hbm>>
      tpu.wait_dma2 semaphore(%arg21 : memref<!tpu.dma_semaphore, #tpu.memory_space<semaphore_mem>>) src(%dma_wait3A_477 : memref<128xi32, #tpu.memory_space<hbm>>) dst(%arg7 : memref<128xi32, #tpu.memory_space<vmem>>)
      %dma_wait3A_478 = tpu.memref_slice %arg4[%add3A_475] : memref<327680xi32, #tpu.memory_space<hbm>> -> memref<128xi32, #tpu.memory_space<hbm>>
      %dma_wait3A_479 = tpu.memref_slice %arg4[%add3A_475] : memref<327680xi32, #tpu.memory_space<hbm>> -> memref<128xi32, #tpu.memory_space<hbm>>
      tpu.wait_dma2 semaphore(%arg25 : memref<!tpu.dma_semaphore, #tpu.memory_space<semaphore_mem>>) src(%dma_wait3A_479 : memref<128xi32, #tpu.memory_space<hbm>>) dst(%arg11 : memref<128xi32, #tpu.memory_space<vmem>>)
      %dma_start3A_480 = arith.constant 1 : i32
      %dma_start3A_481 = arith.constant 0 : i32
      %dma_start3A_482 = arith.constant 0 : i32
      %dma_start3A_483 = tpu.memref_slice %arg14[%dma_start3A_480, %dma_start3A_481, %dma_start3A_482] : memref<2x128x128xf32, #tpu.memory_space<vmem>> -> memref<1x128x128xf32, #tpu.memory_space<vmem>>
      %dma_start3A_484 = tpu.memref_squeeze %dma_start3A_483 : memref<1x128x128xf32, #tpu.memory_space<vmem>> -> memref<128x128xf32, #tpu.memory_space<vmem>>
      %dma_start3A_485 = arith.constant 0 : i32
      %dma_start3A_486 = arith.constant 0 : i32
      %dma_start3A_487 = tpu.memref_slice %arg2[%dma_start3A_485, %dma_start3A_486] : memref<10240x128xf32, #tpu.memory_space<hbm>> -> memref<10240x128xf32, #tpu.memory_space<hbm>>
      tpu.enqueue_indirect_dma source(%dma_start3A_487 : memref<10240x128xf32, #tpu.memory_space<hbm>>) target(%dma_start3A_484 : memref<128x128xf32, #tpu.memory_space<vmem>>) offsets(%arg7 : memref<128xi32, #tpu.memory_space<vmem>>) semaphore(%arg17 : memref<!tpu.dma_semaphore, #tpu.memory_space<semaphore_mem>>)
      %add3A_488 = arith.constant 3 : i32
      %add3A_489 = arith.addi %add3A_446, %add3A_488 : i32
      %mul3A_490 = arith.constant 128 : i32
      %mul3A_491 = arith.muli %add3A_489, %mul3A_490 : i32
      %add3A_492 = arith.addi %mul3A_7, %mul3A_491 : i32
      %dma_start3A_493 = tpu.memref_slice %arg3[%add3A_492] : memref<327680xi32, #tpu.memory_space<hbm>> -> memref<128xi32, #tpu.memory_space<hbm>>
      %dma_start3A_494 = tpu.memref_slice %arg3[%add3A_492] : memref<327680xi32, #tpu.memory_space<hbm>> -> memref<128xi32, #tpu.memory_space<hbm>>
      tpu.enqueue_dma source(%dma_start3A_494 : memref<128xi32, #tpu.memory_space<hbm>>) target(%arg9 : memref<128xi32, #tpu.memory_space<vmem>>) target_semaphore(%arg23 : memref<!tpu.dma_semaphore, #tpu.memory_space<semaphore_mem>>)
      %dma_start3A_495 = tpu.memref_slice %arg4[%add3A_492] : memref<327680xi32, #tpu.memory_space<hbm>> -> memref<128xi32, #tpu.memory_space<hbm>>
      %dma_start3A_496 = tpu.memref_slice %arg4[%add3A_492] : memref<327680xi32, #tpu.memory_space<hbm>> -> memref<128xi32, #tpu.memory_space<hbm>>
      tpu.enqueue_dma source(%dma_start3A_496 : memref<128xi32, #tpu.memory_space<hbm>>) target(%arg13 : memref<128xi32, #tpu.memory_space<vmem>>) target_semaphore(%arg27 : memref<!tpu.dma_semaphore, #tpu.memory_space<semaphore_mem>>)
    }
    %while3A_130 = arith.constant 1 : i32
    scf.for %while3A_272 = %while3A_128 to %while3A_124 step %while3A_130  : i32 {
      %mul3A_273 = arith.constant 4 : i32
      %mul3A_274 = arith.muli %mul3A_273, %while3A_272 : i32
      %add3A_275 = arith.constant 1 : i32
      %add3A_276 = arith.addi %add3A_275, %mul3A_274 : i32
      %add3A_277 = arith.constant 0 : i32
      %add3A_278 = arith.addi %add3A_276, %add3A_277 : i32
      %dma_wait3A_279 = arith.constant 1 : i32
      %dma_wait3A_280 = arith.constant 0 : i32
      %dma_wait3A_281 = arith.constant 0 : i32
      %dma_wait3A_282 = tpu.memref_slice %arg14[%dma_wait3A_279, %dma_wait3A_280, %dma_wait3A_281] : memref<2x128x128xf32, #tpu.memory_space<vmem>> -> memref<1x128x128xf32, #tpu.memory_space<vmem>>
      %dma_wait3A_283 = tpu.memref_squeeze %dma_wait3A_282 : memref<1x128x128xf32, #tpu.memory_space<vmem>> -> memref<128x128xf32, #tpu.memory_space<vmem>>
      %dma_wait3A_284 = arith.constant 0 : i32
      %dma_wait3A_285 = arith.constant 0 : i32
      %dma_wait3A_286 = tpu.memref_slice %arg2[%dma_wait3A_284, %dma_wait3A_285] : memref<10240x128xf32, #tpu.memory_space<hbm>> -> memref<10240x128xf32, #tpu.memory_space<hbm>>
      tpu.wait_indirect_dma semaphore(%arg17 : memref<!tpu.dma_semaphore, #tpu.memory_space<semaphore_mem>>) src(%dma_wait3A_286 : memref<10240x128xf32, #tpu.memory_space<hbm>>) dst(%dma_wait3A_283 : memref<128x128xf32, #tpu.memory_space<vmem>>)
      %dma_wait3A_287 = arith.constant 0 : i32
      %dma_wait3A_288 = arith.constant 0 : i32
      %dma_wait3A_289 = arith.constant 0 : i32
      %dma_wait3A_290 = tpu.memref_slice %arg14[%dma_wait3A_287, %dma_wait3A_288, %dma_wait3A_289] : memref<2x128x128xf32, #tpu.memory_space<vmem>> -> memref<1x128x128xf32, #tpu.memory_space<vmem>>
      %dma_wait3A_291 = tpu.memref_squeeze %dma_wait3A_290 : memref<1x128x128xf32, #tpu.memory_space<vmem>> -> memref<128x128xf32, #tpu.memory_space<vmem>>
      %dma_wait3A_292 = arith.constant 0 : i32
      %dma_wait3A_293 = arith.constant 0 : i32
      %dma_wait3A_294 = tpu.memref_slice %arg15[%dma_wait3A_292, %dma_wait3A_293] : memref<10240x128xf32, #tpu.memory_space<vmem_shared>> -> memref<10240x128xf32, #tpu.memory_space<vmem_shared>>
      tpu.wait_indirect_dma semaphore(%arg18 : memref<!tpu.dma_semaphore, #tpu.memory_space<semaphore_mem>>) src(%dma_wait3A_291 : memref<128x128xf32, #tpu.memory_space<vmem>>) dst(%dma_wait3A_294 : memref<10240x128xf32, #tpu.memory_space<vmem_shared>>)
      %dma_start3A_295 = arith.constant 1 : i32
      %dma_start3A_296 = arith.constant 0 : i32
      %dma_start3A_297 = arith.constant 0 : i32
      %dma_start3A_298 = tpu.memref_slice %arg14[%dma_start3A_295, %dma_start3A_296, %dma_start3A_297] : memref<2x128x128xf32, #tpu.memory_space<vmem>> -> memref<1x128x128xf32, #tpu.memory_space<vmem>>
      %dma_start3A_299 = tpu.memref_squeeze %dma_start3A_298 : memref<1x128x128xf32, #tpu.memory_space<vmem>> -> memref<128x128xf32, #tpu.memory_space<vmem>>
      %dma_start3A_300 = arith.constant 0 : i32
      %dma_start3A_301 = arith.constant 0 : i32
      %dma_start3A_302 = tpu.memref_slice %arg15[%dma_start3A_300, %dma_start3A_301] : memref<10240x128xf32, #tpu.memory_space<vmem_shared>> -> memref<10240x128xf32, #tpu.memory_space<vmem_shared>>
      tpu.enqueue_indirect_dma source(%dma_start3A_299 : memref<128x128xf32, #tpu.memory_space<vmem>>) target(%dma_start3A_302 : memref<10240x128xf32, #tpu.memory_space<vmem_shared>>) offsets(%arg11 : memref<128xi32, #tpu.memory_space<vmem>>) semaphore(%arg19 : memref<!tpu.dma_semaphore, #tpu.memory_space<semaphore_mem>>) {add = true}
      %add3A_303 = arith.constant 1 : i32
      %add3A_304 = arith.addi %add3A_278, %add3A_303 : i32
      %mul3A_305 = arith.constant 128 : i32
      %mul3A_306 = arith.muli %add3A_304, %mul3A_305 : i32
      %add3A_307 = arith.addi %mul3A_7, %mul3A_306 : i32
      %dma_wait3A_308 = tpu.memref_slice %arg3[%add3A_307] : memref<327680xi32, #tpu.memory_space<hbm>> -> memref<128xi32, #tpu.memory_space<hbm>>
      %dma_wait3A_309 = tpu.memref_slice %arg3[%add3A_307] : memref<327680xi32, #tpu.memory_space<hbm>> -> memref<128xi32, #tpu.memory_space<hbm>>
      tpu.wait_dma2 semaphore(%arg22 : memref<!tpu.dma_semaphore, #tpu.memory_space<semaphore_mem>>) src(%dma_wait3A_309 : memref<128xi32, #tpu.memory_space<hbm>>) dst(%arg8 : memref<128xi32, #tpu.memory_space<vmem>>)
      %dma_wait3A_310 = tpu.memref_slice %arg4[%add3A_307] : memref<327680xi32, #tpu.memory_space<hbm>> -> memref<128xi32, #tpu.memory_space<hbm>>
      %dma_wait3A_311 = tpu.memref_slice %arg4[%add3A_307] : memref<327680xi32, #tpu.memory_space<hbm>> -> memref<128xi32, #tpu.memory_space<hbm>>
      tpu.wait_dma2 semaphore(%arg26 : memref<!tpu.dma_semaphore, #tpu.memory_space<semaphore_mem>>) src(%dma_wait3A_311 : memref<128xi32, #tpu.memory_space<hbm>>) dst(%arg12 : memref<128xi32, #tpu.memory_space<vmem>>)
      %dma_start3A_312 = arith.constant 0 : i32
      %dma_start3A_313 = arith.constant 0 : i32
      %dma_start3A_314 = arith.constant 0 : i32
      %dma_start3A_315 = tpu.memref_slice %arg14[%dma_start3A_312, %dma_start3A_313, %dma_start3A_314] : memref<2x128x128xf32, #tpu.memory_space<vmem>> -> memref<1x128x128xf32, #tpu.memory_space<vmem>>
      %dma_start3A_316 = tpu.memref_squeeze %dma_start3A_315 : memref<1x128x128xf32, #tpu.memory_space<vmem>> -> memref<128x128xf32, #tpu.memory_space<vmem>>
      %dma_start3A_317 = arith.constant 0 : i32
      %dma_start3A_318 = arith.constant 0 : i32
      %dma_start3A_319 = tpu.memref_slice %arg2[%dma_start3A_317, %dma_start3A_318] : memref<10240x128xf32, #tpu.memory_space<hbm>> -> memref<10240x128xf32, #tpu.memory_space<hbm>>
      tpu.enqueue_indirect_dma source(%dma_start3A_319 : memref<10240x128xf32, #tpu.memory_space<hbm>>) target(%dma_start3A_316 : memref<128x128xf32, #tpu.memory_space<vmem>>) offsets(%arg8 : memref<128xi32, #tpu.memory_space<vmem>>) semaphore(%arg16 : memref<!tpu.dma_semaphore, #tpu.memory_space<semaphore_mem>>)
      %add3A_320 = arith.constant 3 : i32
      %add3A_321 = arith.addi %add3A_278, %add3A_320 : i32
      %mul3A_322 = arith.constant 128 : i32
      %mul3A_323 = arith.muli %add3A_321, %mul3A_322 : i32
      %add3A_324 = arith.addi %mul3A_7, %mul3A_323 : i32
      %dma_start3A_325 = tpu.memref_slice %arg3[%add3A_324] : memref<327680xi32, #tpu.memory_space<hbm>> -> memref<128xi32, #tpu.memory_space<hbm>>
      %dma_start3A_326 = tpu.memref_slice %arg3[%add3A_324] : memref<327680xi32, #tpu.memory_space<hbm>> -> memref<128xi32, #tpu.memory_space<hbm>>
      tpu.enqueue_dma source(%dma_start3A_326 : memref<128xi32, #tpu.memory_space<hbm>>) target(%arg6 : memref<128xi32, #tpu.memory_space<vmem>>) target_semaphore(%arg20 : memref<!tpu.dma_semaphore, #tpu.memory_space<semaphore_mem>>)
      %dma_start3A_327 = tpu.memref_slice %arg4[%add3A_324] : memref<327680xi32, #tpu.memory_space<hbm>> -> memref<128xi32, #tpu.memory_space<hbm>>
      %dma_start3A_328 = tpu.memref_slice %arg4[%add3A_324] : memref<327680xi32, #tpu.memory_space<hbm>> -> memref<128xi32, #tpu.memory_space<hbm>>
      tpu.enqueue_dma source(%dma_start3A_328 : memref<128xi32, #tpu.memory_space<hbm>>) target(%arg10 : memref<128xi32, #tpu.memory_space<vmem>>) target_semaphore(%arg24 : memref<!tpu.dma_semaphore, #tpu.memory_space<semaphore_mem>>)
      %mul3A_329 = arith.constant 4 : i32
      %mul3A_330 = arith.muli %mul3A_329, %while3A_272 : i32
      %add3A_331 = arith.constant 1 : i32
      %add3A_332 = arith.addi %add3A_331, %mul3A_330 : i32
      %add3A_333 = arith.constant 1 : i32
      %add3A_334 = arith.addi %add3A_332, %add3A_333 : i32
      %dma_wait3A_335 = arith.constant 0 : i32
      %dma_wait3A_336 = arith.constant 0 : i32
      %dma_wait3A_337 = arith.constant 0 : i32
      %dma_wait3A_338 = tpu.memref_slice %arg14[%dma_wait3A_335, %dma_wait3A_336, %dma_wait3A_337] : memref<2x128x128xf32, #tpu.memory_space<vmem>> -> memref<1x128x128xf32, #tpu.memory_space<vmem>>
      %dma_wait3A_339 = tpu.memref_squeeze %dma_wait3A_338 : memref<1x128x128xf32, #tpu.memory_space<vmem>> -> memref<128x128xf32, #tpu.memory_space<vmem>>
      %dma_wait3A_340 = arith.constant 0 : i32
      %dma_wait3A_341 = arith.constant 0 : i32
      %dma_wait3A_342 = tpu.memref_slice %arg2[%dma_wait3A_340, %dma_wait3A_341] : memref<10240x128xf32, #tpu.memory_space<hbm>> -> memref<10240x128xf32, #tpu.memory_space<hbm>>
      tpu.wait_indirect_dma semaphore(%arg16 : memref<!tpu.dma_semaphore, #tpu.memory_space<semaphore_mem>>) src(%dma_wait3A_342 : memref<10240x128xf32, #tpu.memory_space<hbm>>) dst(%dma_wait3A_339 : memref<128x128xf32, #tpu.memory_space<vmem>>)
      %dma_wait3A_343 = arith.constant 1 : i32
      %dma_wait3A_344 = arith.constant 0 : i32
      %dma_wait3A_345 = arith.constant 0 : i32
      %dma_wait3A_346 = tpu.memref_slice %arg14[%dma_wait3A_343, %dma_wait3A_344, %dma_wait3A_345] : memref<2x128x128xf32, #tpu.memory_space<vmem>> -> memref<1x128x128xf32, #tpu.memory_space<vmem>>
      %dma_wait3A_347 = tpu.memref_squeeze %dma_wait3A_346 : memref<1x128x128xf32, #tpu.memory_space<vmem>> -> memref<128x128xf32, #tpu.memory_space<vmem>>
      %dma_wait3A_348 = arith.constant 0 : i32
      %dma_wait3A_349 = arith.constant 0 : i32
      %dma_wait3A_350 = tpu.memref_slice %arg15[%dma_wait3A_348, %dma_wait3A_349] : memref<10240x128xf32, #tpu.memory_space<vmem_shared>> -> memref<10240x128xf32, #tpu.memory_space<vmem_shared>>
      tpu.wait_indirect_dma semaphore(%arg19 : memref<!tpu.dma_semaphore, #tpu.memory_space<semaphore_mem>>) src(%dma_wait3A_347 : memref<128x128xf32, #tpu.memory_space<vmem>>) dst(%dma_wait3A_350 : memref<10240x128xf32, #tpu.memory_space<vmem_shared>>)
      %dma_start3A_351 = arith.constant 0 : i32
      %dma_start3A_352 = arith.constant 0 : i32
      %dma_start3A_353 = arith.constant 0 : i32
      %dma_start3A_354 = tpu.memref_slice %arg14[%dma_start3A_351, %dma_start3A_352, %dma_start3A_353] : memref<2x128x128xf32, #tpu.memory_space<vmem>> -> memref<1x128x128xf32, #tpu.memory_space<vmem>>
      %dma_start3A_355 = tpu.memref_squeeze %dma_start3A_354 : memref<1x128x128xf32, #tpu.memory_space<vmem>> -> memref<128x128xf32, #tpu.memory_space<vmem>>
      %dma_start3A_356 = arith.constant 0 : i32
      %dma_start3A_357 = arith.constant 0 : i32
      %dma_start3A_358 = tpu.memref_slice %arg15[%dma_start3A_356, %dma_start3A_357] : memref<10240x128xf32, #tpu.memory_space<vmem_shared>> -> memref<10240x128xf32, #tpu.memory_space<vmem_shared>>
      tpu.enqueue_indirect_dma source(%dma_start3A_355 : memref<128x128xf32, #tpu.memory_space<vmem>>) target(%dma_start3A_358 : memref<10240x128xf32, #tpu.memory_space<vmem_shared>>) offsets(%arg12 : memref<128xi32, #tpu.memory_space<vmem>>) semaphore(%arg18 : memref<!tpu.dma_semaphore, #tpu.memory_space<semaphore_mem>>) {add = true}
      %add3A_359 = arith.constant 1 : i32
      %add3A_360 = arith.addi %add3A_334, %add3A_359 : i32
      %mul3A_361 = arith.constant 128 : i32
      %mul3A_362 = arith.muli %add3A_360, %mul3A_361 : i32
      %add3A_363 = arith.addi %mul3A_7, %mul3A_362 : i32
      %dma_wait3A_364 = tpu.memref_slice %arg3[%add3A_363] : memref<327680xi32, #tpu.memory_space<hbm>> -> memref<128xi32, #tpu.memory_space<hbm>>
      %dma_wait3A_365 = tpu.memref_slice %arg3[%add3A_363] : memref<327680xi32, #tpu.memory_space<hbm>> -> memref<128xi32, #tpu.memory_space<hbm>>
      tpu.wait_dma2 semaphore(%arg23 : memref<!tpu.dma_semaphore, #tpu.memory_space<semaphore_mem>>) src(%dma_wait3A_365 : memref<128xi32, #tpu.memory_space<hbm>>) dst(%arg9 : memref<128xi32, #tpu.memory_space<vmem>>)
      %dma_wait3A_366 = tpu.memref_slice %arg4[%add3A_363] : memref<327680xi32, #tpu.memory_space<hbm>> -> memref<128xi32, #tpu.memory_space<hbm>>
      %dma_wait3A_367 = tpu.memref_slice %arg4[%add3A_363] : memref<327680xi32, #tpu.memory_space<hbm>> -> memref<128xi32, #tpu.memory_space<hbm>>
      tpu.wait_dma2 semaphore(%arg27 : memref<!tpu.dma_semaphore, #tpu.memory_space<semaphore_mem>>) src(%dma_wait3A_367 : memref<128xi32, #tpu.memory_space<hbm>>) dst(%arg13 : memref<128xi32, #tpu.memory_space<vmem>>)
      %dma_start3A_368 = arith.constant 1 : i32
      %dma_start3A_369 = arith.constant 0 : i32
      %dma_start3A_370 = arith.constant 0 : i32
      %dma_start3A_371 = tpu.memref_slice %arg14[%dma_start3A_368, %dma_start3A_369, %dma_start3A_370] : memref<2x128x128xf32, #tpu.memory_space<vmem>> -> memref<1x128x128xf32, #tpu.memory_space<vmem>>
      %dma_start3A_372 = tpu.memref_squeeze %dma_start3A_371 : memref<1x128x128xf32, #tpu.memory_space<vmem>> -> memref<128x128xf32, #tpu.memory_space<vmem>>
      %dma_start3A_373 = arith.constant 0 : i32
      %dma_start3A_374 = arith.constant 0 : i32
      %dma_start3A_375 = tpu.memref_slice %arg2[%dma_start3A_373, %dma_start3A_374] : memref<10240x128xf32, #tpu.memory_space<hbm>> -> memref<10240x128xf32, #tpu.memory_space<hbm>>
      tpu.enqueue_indirect_dma source(%dma_start3A_375 : memref<10240x128xf32, #tpu.memory_space<hbm>>) target(%dma_start3A_372 : memref<128x128xf32, #tpu.memory_space<vmem>>) offsets(%arg9 : memref<128xi32, #tpu.memory_space<vmem>>) semaphore(%arg17 : memref<!tpu.dma_semaphore, #tpu.memory_space<semaphore_mem>>)
      %add3A_376 = arith.constant 3 : i32
      %add3A_377 = arith.addi %add3A_334, %add3A_376 : i32
      %mul3A_378 = arith.constant 128 : i32
      %mul3A_379 = arith.muli %add3A_377, %mul3A_378 : i32
      %add3A_380 = arith.addi %mul3A_7, %mul3A_379 : i32
      %dma_start3A_381 = tpu.memref_slice %arg3[%add3A_380] : memref<327680xi32, #tpu.memory_space<hbm>> -> memref<128xi32, #tpu.memory_space<hbm>>
      %dma_start3A_382 = tpu.memref_slice %arg3[%add3A_380] : memref<327680xi32, #tpu.memory_space<hbm>> -> memref<128xi32, #tpu.memory_space<hbm>>
      tpu.enqueue_dma source(%dma_start3A_382 : memref<128xi32, #tpu.memory_space<hbm>>) target(%arg7 : memref<128xi32, #tpu.memory_space<vmem>>) target_semaphore(%arg21 : memref<!tpu.dma_semaphore, #tpu.memory_space<semaphore_mem>>)
      %dma_start3A_383 = tpu.memref_slice %arg4[%add3A_380] : memref<327680xi32, #tpu.memory_space<hbm>> -> memref<128xi32, #tpu.memory_space<hbm>>
      %dma_start3A_384 = tpu.memref_slice %arg4[%add3A_380] : memref<327680xi32, #tpu.memory_space<hbm>> -> memref<128xi32, #tpu.memory_space<hbm>>
      tpu.enqueue_dma source(%dma_start3A_384 : memref<128xi32, #tpu.memory_space<hbm>>) target(%arg11 : memref<128xi32, #tpu.memory_space<vmem>>) target_semaphore(%arg25 : memref<!tpu.dma_semaphore, #tpu.memory_space<semaphore_mem>>)
      %mul3A_385 = arith.constant 4 : i32
      %mul3A_386 = arith.muli %mul3A_385, %while3A_272 : i32
      %add3A_387 = arith.constant 1 : i32
      %add3A_388 = arith.addi %add3A_387, %mul3A_386 : i32
      %add3A_389 = arith.constant 2 : i32
      %add3A_390 = arith.addi %add3A_388, %add3A_389 : i32
      %dma_wait3A_391 = arith.constant 1 : i32
      %dma_wait3A_392 = arith.constant 0 : i32
      %dma_wait3A_393 = arith.constant 0 : i32
      %dma_wait3A_394 = tpu.memref_slice %arg14[%dma_wait3A_391, %dma_wait3A_392, %dma_wait3A_393] : memref<2x128x128xf32, #tpu.memory_space<vmem>> -> memref<1x128x128xf32, #tpu.memory_space<vmem>>
      %dma_wait3A_395 = tpu.memref_squeeze %dma_wait3A_394 : memref<1x128x128xf32, #tpu.memory_space<vmem>> -> memref<128x128xf32, #tpu.memory_space<vmem>>
      %dma_wait3A_396 = arith.constant 0 : i32
      %dma_wait3A_397 = arith.constant 0 : i32
      %dma_wait3A_398 = tpu.memref_slice %arg2[%dma_wait3A_396, %dma_wait3A_397] : memref<10240x128xf32, #tpu.memory_space<hbm>> -> memref<10240x128xf32, #tpu.memory_space<hbm>>
      tpu.wait_indirect_dma semaphore(%arg17 : memref<!tpu.dma_semaphore, #tpu.memory_space<semaphore_mem>>) src(%dma_wait3A_398 : memref<10240x128xf32, #tpu.memory_space<hbm>>) dst(%dma_wait3A_395 : memref<128x128xf32, #tpu.memory_space<vmem>>)
      %dma_wait3A_399 = arith.constant 0 : i32
      %dma_wait3A_400 = arith.constant 0 : i32
      %dma_wait3A_401 = arith.constant 0 : i32
      %dma_wait3A_402 = tpu.memref_slice %arg14[%dma_wait3A_399, %dma_wait3A_400, %dma_wait3A_401] : memref<2x128x128xf32, #tpu.memory_space<vmem>> -> memref<1x128x128xf32, #tpu.memory_space<vmem>>
      %dma_wait3A_403 = tpu.memref_squeeze %dma_wait3A_402 : memref<1x128x128xf32, #tpu.memory_space<vmem>> -> memref<128x128xf32, #tpu.memory_space<vmem>>
      %dma_wait3A_404 = arith.constant 0 : i32
      %dma_wait3A_405 = arith.constant 0 : i32
      %dma_wait3A_406 = tpu.memref_slice %arg15[%dma_wait3A_404, %dma_wait3A_405] : memref<10240x128xf32, #tpu.memory_space<vmem_shared>> -> memref<10240x128xf32, #tpu.memory_space<vmem_shared>>
      tpu.wait_indirect_dma semaphore(%arg18 : memref<!tpu.dma_semaphore, #tpu.memory_space<semaphore_mem>>) src(%dma_wait3A_403 : memref<128x128xf32, #tpu.memory_space<vmem>>) dst(%dma_wait3A_406 : memref<10240x128xf32, #tpu.memory_space<vmem_shared>>)
      %dma_start3A_407 = arith.constant 1 : i32
      %dma_start3A_408 = arith.constant 0 : i32
      %dma_start3A_409 = arith.constant 0 : i32
      %dma_start3A_410 = tpu.memref_slice %arg14[%dma_start3A_407, %dma_start3A_408, %dma_start3A_409] : memref<2x128x128xf32, #tpu.memory_space<vmem>> -> memref<1x128x128xf32, #tpu.memory_space<vmem>>
      %dma_start3A_411 = tpu.memref_squeeze %dma_start3A_410 : memref<1x128x128xf32, #tpu.memory_space<vmem>> -> memref<128x128xf32, #tpu.memory_space<vmem>>
      %dma_start3A_412 = arith.constant 0 : i32
      %dma_start3A_413 = arith.constant 0 : i32
      %dma_start3A_414 = tpu.memref_slice %arg15[%dma_start3A_412, %dma_start3A_413] : memref<10240x128xf32, #tpu.memory_space<vmem_shared>> -> memref<10240x128xf32, #tpu.memory_space<vmem_shared>>
      tpu.enqueue_indirect_dma source(%dma_start3A_411 : memref<128x128xf32, #tpu.memory_space<vmem>>) target(%dma_start3A_414 : memref<10240x128xf32, #tpu.memory_space<vmem_shared>>) offsets(%arg13 : memref<128xi32, #tpu.memory_space<vmem>>) semaphore(%arg19 : memref<!tpu.dma_semaphore, #tpu.memory_space<semaphore_mem>>) {add = true}
      %add3A_415 = arith.constant 1 : i32
      %add3A_416 = arith.addi %add3A_390, %add3A_415 : i32
      %mul3A_417 = arith.constant 128 : i32
      %mul3A_418 = arith.muli %add3A_416, %mul3A_417 : i32
      %add3A_419 = arith.addi %mul3A_7, %mul3A_418 : i32
      %dma_wait3A_420 = tpu.memref_slice %arg3[%add3A_419] : memref<327680xi32, #tpu.memory_space<hbm>> -> memref<128xi32, #tpu.memory_space<hbm>>
      %dma_wait3A_421 = tpu.memref_slice %arg3[%add3A_419] : memref<327680xi32, #tpu.memory_space<hbm>> -> memref<128xi32, #tpu.memory_space<hbm>>
      tpu.wait_dma2 semaphore(%arg20 : memref<!tpu.dma_semaphore, #tpu.memory_space<semaphore_mem>>) src(%dma_wait3A_421 : memref<128xi32, #tpu.memory_space<hbm>>) dst(%arg6 : memref<128xi32, #tpu.memory_space<vmem>>)
      %dma_wait3A_422 = tpu.memref_slice %arg4[%add3A_419] : memref<327680xi32, #tpu.memory_space<hbm>> -> memref<128xi32, #tpu.memory_space<hbm>>
      %dma_wait3A_423 = tpu.memref_slice %arg4[%add3A_419] : memref<327680xi32, #tpu.memory_space<hbm>> -> memref<128xi32, #tpu.memory_space<hbm>>
      tpu.wait_dma2 semaphore(%arg24 : memref<!tpu.dma_semaphore, #tpu.memory_space<semaphore_mem>>) src(%dma_wait3A_423 : memref<128xi32, #tpu.memory_space<hbm>>) dst(%arg10 : memref<128xi32, #tpu.memory_space<vmem>>)
      %dma_start3A_424 = arith.constant 0 : i32
      %dma_start3A_425 = arith.constant 0 : i32
      %dma_start3A_426 = arith.constant 0 : i32
      %dma_start3A_427 = tpu.memref_slice %arg14[%dma_start3A_424, %dma_start3A_425, %dma_start3A_426] : memref<2x128x128xf32, #tpu.memory_space<vmem>> -> memref<1x128x128xf32, #tpu.memory_space<vmem>>
      %dma_start3A_428 = tpu.memref_squeeze %dma_start3A_427 : memref<1x128x128xf32, #tpu.memory_space<vmem>> -> memref<128x128xf32, #tpu.memory_space<vmem>>
      %dma_start3A_429 = arith.constant 0 : i32
      %dma_start3A_430 = arith.constant 0 : i32
      %dma_start3A_431 = tpu.memref_slice %arg2[%dma_start3A_429, %dma_start3A_430] : memref<10240x128xf32, #tpu.memory_space<hbm>> -> memref<10240x128xf32, #tpu.memory_space<hbm>>
      tpu.enqueue_indirect_dma source(%dma_start3A_431 : memref<10240x128xf32, #tpu.memory_space<hbm>>) target(%dma_start3A_428 : memref<128x128xf32, #tpu.memory_space<vmem>>) offsets(%arg6 : memref<128xi32, #tpu.memory_space<vmem>>) semaphore(%arg16 : memref<!tpu.dma_semaphore, #tpu.memory_space<semaphore_mem>>)
      %add3A_432 = arith.constant 3 : i32
      %add3A_433 = arith.addi %add3A_390, %add3A_432 : i32
      %mul3A_434 = arith.constant 128 : i32
      %mul3A_435 = arith.muli %add3A_433, %mul3A_434 : i32
      %add3A_436 = arith.addi %mul3A_7, %mul3A_435 : i32
      %dma_start3A_437 = tpu.memref_slice %arg3[%add3A_436] : memref<327680xi32, #tpu.memory_space<hbm>> -> memref<128xi32, #tpu.memory_space<hbm>>
      %dma_start3A_438 = tpu.memref_slice %arg3[%add3A_436] : memref<327680xi32, #tpu.memory_space<hbm>> -> memref<128xi32, #tpu.memory_space<hbm>>
      tpu.enqueue_dma source(%dma_start3A_438 : memref<128xi32, #tpu.memory_space<hbm>>) target(%arg8 : memref<128xi32, #tpu.memory_space<vmem>>) target_semaphore(%arg22 : memref<!tpu.dma_semaphore, #tpu.memory_space<semaphore_mem>>)
      %dma_start3A_439 = tpu.memref_slice %arg4[%add3A_436] : memref<327680xi32, #tpu.memory_space<hbm>> -> memref<128xi32, #tpu.memory_space<hbm>>
      %dma_start3A_440 = tpu.memref_slice %arg4[%add3A_436] : memref<327680xi32, #tpu.memory_space<hbm>> -> memref<128xi32, #tpu.memory_space<hbm>>
      tpu.enqueue_dma source(%dma_start3A_440 : memref<128xi32, #tpu.memory_space<hbm>>) target(%arg12 : memref<128xi32, #tpu.memory_space<vmem>>) target_semaphore(%arg26 : memref<!tpu.dma_semaphore, #tpu.memory_space<semaphore_mem>>)
      %mul3A_441 = arith.constant 4 : i32
      %mul3A_442 = arith.muli %mul3A_441, %while3A_272 : i32
      %add3A_443 = arith.constant 1 : i32
      %add3A_444 = arith.addi %add3A_443, %mul3A_442 : i32
      %add3A_445 = arith.constant 3 : i32
      %add3A_446 = arith.addi %add3A_444, %add3A_445 : i32
      %dma_wait3A_447 = arith.constant 0 : i32
      %dma_wait3A_448 = arith.constant 0 : i32
      %dma_wait3A_449 = arith.constant 0 : i32
      %dma_wait3A_450 = tpu.memref_slice %arg14[%dma_wait3A_447, %dma_wait3A_448, %dma_wait3A_449] : memref<2x128x128xf32, #tpu.memory_space<vmem>> -> memref<1x128x128xf32, #tpu.memory_space<vmem>>
      %dma_wait3A_451 = tpu.memref_squeeze %dma_wait3A_450 : memref<1x128x128xf32, #tpu.memory_space<vmem>> -> memref<128x128xf32, #tpu.memory_space<vmem>>
      %dma_wait3A_452 = arith.constant 0 : i32
      %dma_wait3A_453 = arith.constant 0 : i32
      %dma_wait3A_454 = tpu.memref_slice %arg2[%dma_wait3A_452, %dma_wait3A_453] : memref<10240x128xf32, #tpu.memory_space<hbm>> -> memref<10240x128xf32, #tpu.memory_space<hbm>>
      tpu.wait_indirect_dma semaphore(%arg16 : memref<!tpu.dma_semaphore, #tpu.memory_space<semaphore_mem>>) src(%dma_wait3A_454 : memref<10240x128xf32, #tpu.memory_space<hbm>>) dst(%dma_wait3A_451 : memref<128x128xf32, #tpu.memory_space<vmem>>)
      %dma_wait3A_455 = arith.constant 1 : i32
      %dma_wait3A_456 = arith.constant 0 : i32
      %dma_wait3A_457 = arith.constant 0 : i32
      %dma_wait3A_458 = tpu.memref_slice %arg14[%dma_wait3A_455, %dma_wait3A_456, %dma_wait3A_457] : memref<2x128x128xf32, #tpu.memory_space<vmem>> -> memref<1x128x128xf32, #tpu.memory_space<vmem>>
      %dma_wait3A_459 = tpu.memref_squeeze %dma_wait3A_458 : memref<1x128x128xf32, #tpu.memory_space<vmem>> -> memref<128x128xf32, #tpu.memory_space<vmem>>
      %dma_wait3A_460 = arith.constant 0 : i32
      %dma_wait3A_461 = arith.constant 0 : i32
      %dma_wait3A_462 = tpu.memref_slice %arg15[%dma_wait3A_460, %dma_wait3A_461] : memref<10240x128xf32, #tpu.memory_space<vmem_shared>> -> memref<10240x128xf32, #tpu.memory_space<vmem_shared>>
      tpu.wait_indirect_dma semaphore(%arg19 : memref<!tpu.dma_semaphore, #tpu.memory_space<semaphore_mem>>) src(%dma_wait3A_459 : memref<128x128xf32, #tpu.memory_space<vmem>>) dst(%dma_wait3A_462 : memref<10240x128xf32, #tpu.memory_space<vmem_shared>>)
      %dma_start3A_463 = arith.constant 0 : i32
      %dma_start3A_464 = arith.constant 0 : i32
      %dma_start3A_465 = arith.constant 0 : i32
      %dma_start3A_466 = tpu.memref_slice %arg14[%dma_start3A_463, %dma_start3A_464, %dma_start3A_465] : memref<2x128x128xf32, #tpu.memory_space<vmem>> -> memref<1x128x128xf32, #tpu.memory_space<vmem>>
      %dma_start3A_467 = tpu.memref_squeeze %dma_start3A_466 : memref<1x128x128xf32, #tpu.memory_space<vmem>> -> memref<128x128xf32, #tpu.memory_space<vmem>>
      %dma_start3A_468 = arith.constant 0 : i32
      %dma_start3A_469 = arith.constant 0 : i32
      %dma_start3A_470 = tpu.memref_slice %arg15[%dma_start3A_468, %dma_start3A_469] : memref<10240x128xf32, #tpu.memory_space<vmem_shared>> -> memref<10240x128xf32, #tpu.memory_space<vmem_shared>>
      tpu.enqueue_indirect_dma source(%dma_start3A_467 : memref<128x128xf32, #tpu.memory_space<vmem>>) target(%dma_start3A_470 : memref<10240x128xf32, #tpu.memory_space<vmem_shared>>) offsets(%arg10 : memref<128xi32, #tpu.memory_space<vmem>>) semaphore(%arg18 : memref<!tpu.dma_semaphore, #tpu.memory_space<semaphore_mem>>) {add = true}
      %add3A_471 = arith.constant 1 : i32
      %add3A_472 = arith.addi %add3A_446, %add3A_471 : i32
      %mul3A_473 = arith.constant 128 : i32
      %mul3A_474 = arith.muli %add3A_472, %mul3A_473 : i32
      %add3A_475 = arith.addi %mul3A_7, %mul3A_474 : i32
      %dma_wait3A_476 = tpu.memref_slice %arg3[%add3A_475] : memref<327680xi32, #tpu.memory_space<hbm>> -> memref<128xi32, #tpu.memory_space<hbm>>
      %dma_wait3A_477 = tpu.memref_slice %arg3[%add3A_475] : memref<327680xi32, #tpu.memory_space<hbm>> -> memref<128xi32, #tpu.memory_space<hbm>>
      tpu.wait_dma2 semaphore(%arg21 : memref<!tpu.dma_semaphore, #tpu.memory_space<semaphore_mem>>) src(%dma_wait3A_477 : memref<128xi32, #tpu.memory_space<hbm>>) dst(%arg7 : memref<128xi32, #tpu.memory_space<vmem>>)
      %dma_wait3A_478 = tpu.memref_slice %arg4[%add3A_475] : memref<327680xi32, #tpu.memory_space<hbm>> -> memref<128xi32, #tpu.memory_space<hbm>>
      %dma_wait3A_479 = tpu.memref_slice %arg4[%add3A_475] : memref<327680xi32, #tpu.memory_space<hbm>> -> memref<128xi32, #tpu.memory_space<hbm>>
      tpu.wait_dma2 semaphore(%arg25 : memref<!tpu.dma_semaphore, #tpu.memory_space<semaphore_mem>>) src(%dma_wait3A_479 : memref<128xi32, #tpu.memory_space<hbm>>) dst(%arg11 : memref<128xi32, #tpu.memory_space<vmem>>)
      %dma_start3A_480 = arith.constant 1 : i32
      %dma_start3A_481 = arith.constant 0 : i32
      %dma_start3A_482 = arith.constant 0 : i32
      %dma_start3A_483 = tpu.memref_slice %arg14[%dma_start3A_480, %dma_start3A_481, %dma_start3A_482] : memref<2x128x128xf32, #tpu.memory_space<vmem>> -> memref<1x128x128xf32, #tpu.memory_space<vmem>>
      %dma_start3A_484 = tpu.memref_squeeze %dma_start3A_483 : memref<1x128x128xf32, #tpu.memory_space<vmem>> -> memref<128x128xf32, #tpu.memory_space<vmem>>
      %dma_start3A_485 = arith.constant 0 : i32
      %dma_start3A_486 = arith.constant 0 : i32
      %dma_start3A_487 = tpu.memref_slice %arg2[%dma_start3A_485, %dma_start3A_486] : memref<10240x128xf32, #tpu.memory_space<hbm>> -> memref<10240x128xf32, #tpu.memory_space<hbm>>
      tpu.enqueue_indirect_dma source(%dma_start3A_487 : memref<10240x128xf32, #tpu.memory_space<hbm>>) target(%dma_start3A_484 : memref<128x128xf32, #tpu.memory_space<vmem>>) offsets(%arg7 : memref<128xi32, #tpu.memory_space<vmem>>) semaphore(%arg17 : memref<!tpu.dma_semaphore, #tpu.memory_space<semaphore_mem>>)
      %add3A_488 = arith.constant 3 : i32
      %add3A_489 = arith.addi %add3A_446, %add3A_488 : i32
      %mul3A_490 = arith.constant 128 : i32
      %mul3A_491 = arith.muli %add3A_489, %mul3A_490 : i32
      %add3A_492 = arith.addi %mul3A_7, %mul3A_491 : i32
      %dma_start3A_493 = tpu.memref_slice %arg3[%add3A_492] : memref<327680xi32, #tpu.memory_space<hbm>> -> memref<128xi32, #tpu.memory_space<hbm>>
      %dma_start3A_494 = tpu.memref_slice %arg3[%add3A_492] : memref<327680xi32, #tpu.memory_space<hbm>> -> memref<128xi32, #tpu.memory_space<hbm>>
      tpu.enqueue_dma source(%dma_start3A_494 : memref<128xi32, #tpu.memory_space<hbm>>) target(%arg9 : memref<128xi32, #tpu.memory_space<vmem>>) target_semaphore(%arg23 : memref<!tpu.dma_semaphore, #tpu.memory_space<semaphore_mem>>)
      %dma_start3A_495 = tpu.memref_slice %arg4[%add3A_492] : memref<327680xi32, #tpu.memory_space<hbm>> -> memref<128xi32, #tpu.memory_space<hbm>>
      %dma_start3A_496 = tpu.memref_slice %arg4[%add3A_492] : memref<327680xi32, #tpu.memory_space<hbm>> -> memref<128xi32, #tpu.memory_space<hbm>>
      tpu.enqueue_dma source(%dma_start3A_496 : memref<128xi32, #tpu.memory_space<hbm>>) target(%arg13 : memref<128xi32, #tpu.memory_space<vmem>>) target_semaphore(%arg27 : memref<!tpu.dma_semaphore, #tpu.memory_space<semaphore_mem>>)
    }
    %sub3A_131 = arith.constant 3 : i32
    %sub3A_132 = arith.subi %select_n3A, %sub3A_131 : i32
    %dma_wait3A_133 = arith.constant 1 : i32
    %dma_wait3A_134 = arith.constant 0 : i32
    %dma_wait3A_135 = arith.constant 0 : i32
    %dma_wait3A_136 = tpu.memref_slice %arg14[%dma_wait3A_133, %dma_wait3A_134, %dma_wait3A_135] : memref<2x128x128xf32, #tpu.memory_space<vmem>> -> memref<1x128x128xf32, #tpu.memory_space<vmem>>
    %dma_wait3A_137 = tpu.memref_squeeze %dma_wait3A_136 : memref<1x128x128xf32, #tpu.memory_space<vmem>> -> memref<128x128xf32, #tpu.memory_space<vmem>>
    %dma_wait3A_138 = arith.constant 0 : i32
    %dma_wait3A_139 = arith.constant 0 : i32
    %dma_wait3A_140 = tpu.memref_slice %arg2[%dma_wait3A_138, %dma_wait3A_139] : memref<10240x128xf32, #tpu.memory_space<hbm>> -> memref<10240x128xf32, #tpu.memory_space<hbm>>
    tpu.wait_indirect_dma semaphore(%arg17 : memref<!tpu.dma_semaphore, #tpu.memory_space<semaphore_mem>>) src(%dma_wait3A_140 : memref<10240x128xf32, #tpu.memory_space<hbm>>) dst(%dma_wait3A_137 : memref<128x128xf32, #tpu.memory_space<vmem>>)
    %dma_wait3A_141 = arith.constant 0 : i32
    %dma_wait3A_142 = arith.constant 0 : i32
    %dma_wait3A_143 = arith.constant 0 : i32
    %dma_wait3A_144 = tpu.memref_slice %arg14[%dma_wait3A_141, %dma_wait3A_142, %dma_wait3A_143] : memref<2x128x128xf32, #tpu.memory_space<vmem>> -> memref<1x128x128xf32, #tpu.memory_space<vmem>>
    %dma_wait3A_145 = tpu.memref_squeeze %dma_wait3A_144 : memref<1x128x128xf32, #tpu.memory_space<vmem>> -> memref<128x128xf32, #tpu.memory_space<vmem>>
    %dma_wait3A_146 = arith.constant 0 : i32
    %dma_wait3A_147 = arith.constant 0 : i32
    %dma_wait3A_148 = tpu.memref_slice %arg15[%dma_wait3A_146, %dma_wait3A_147] : memref<10240x128xf32, #tpu.memory_space<vmem_shared>> -> memref<10240x128xf32, #tpu.memory_space<vmem_shared>>
    tpu.wait_indirect_dma semaphore(%arg18 : memref<!tpu.dma_semaphore, #tpu.memory_space<semaphore_mem>>) src(%dma_wait3A_145 : memref<128x128xf32, #tpu.memory_space<vmem>>) dst(%dma_wait3A_148 : memref<10240x128xf32, #tpu.memory_space<vmem_shared>>)
    %dma_start3A_149 = arith.constant 1 : i32
    %dma_start3A_150 = arith.constant 0 : i32
    %dma_start3A_151 = arith.constant 0 : i32
    %dma_start3A_152 = tpu.memref_slice %arg14[%dma_start3A_149, %dma_start3A_150, %dma_start3A_151] : memref<2x128x128xf32, #tpu.memory_space<vmem>> -> memref<1x128x128xf32, #tpu.memory_space<vmem>>
    %dma_start3A_153 = tpu.memref_squeeze %dma_start3A_152 : memref<1x128x128xf32, #tpu.memory_space<vmem>> -> memref<128x128xf32, #tpu.memory_space<vmem>>
    %dma_start3A_154 = arith.constant 0 : i32
    %dma_start3A_155 = arith.constant 0 : i32
    %dma_start3A_156 = tpu.memref_slice %arg15[%dma_start3A_154, %dma_start3A_155] : memref<10240x128xf32, #tpu.memory_space<vmem_shared>> -> memref<10240x128xf32, #tpu.memory_space<vmem_shared>>
    tpu.enqueue_indirect_dma source(%dma_start3A_153 : memref<128x128xf32, #tpu.memory_space<vmem>>) target(%dma_start3A_156 : memref<10240x128xf32, #tpu.memory_space<vmem_shared>>) offsets(%arg11 : memref<128xi32, #tpu.memory_space<vmem>>) semaphore(%arg19 : memref<!tpu.dma_semaphore, #tpu.memory_space<semaphore_mem>>) {add = true}
    %add3A_157 = arith.constant 1 : i32
    %add3A_158 = arith.addi %sub3A_132, %add3A_157 : i32
    %mul3A_159 = arith.constant 128 : i32
    %mul3A_160 = arith.muli %add3A_158, %mul3A_159 : i32
    %add3A_161 = arith.addi %mul3A_7, %mul3A_160 : i32
    %dma_wait3A_162 = tpu.memref_slice %arg3[%add3A_161] : memref<327680xi32, #tpu.memory_space<hbm>> -> memref<128xi32, #tpu.memory_space<hbm>>
    %dma_wait3A_163 = tpu.memref_slice %arg3[%add3A_161] : memref<327680xi32, #tpu.memory_space<hbm>> -> memref<128xi32, #tpu.memory_space<hbm>>
    tpu.wait_dma2 semaphore(%arg22 : memref<!tpu.dma_semaphore, #tpu.memory_space<semaphore_mem>>) src(%dma_wait3A_163 : memref<128xi32, #tpu.memory_space<hbm>>) dst(%arg8 : memref<128xi32, #tpu.memory_space<vmem>>)
    %dma_wait3A_164 = tpu.memref_slice %arg4[%add3A_161] : memref<327680xi32, #tpu.memory_space<hbm>> -> memref<128xi32, #tpu.memory_space<hbm>>
    %dma_wait3A_165 = tpu.memref_slice %arg4[%add3A_161] : memref<327680xi32, #tpu.memory_space<hbm>> -> memref<128xi32, #tpu.memory_space<hbm>>
    tpu.wait_dma2 semaphore(%arg26 : memref<!tpu.dma_semaphore, #tpu.memory_space<semaphore_mem>>) src(%dma_wait3A_165 : memref<128xi32, #tpu.memory_space<hbm>>) dst(%arg12 : memref<128xi32, #tpu.memory_space<vmem>>)
    %dma_start3A_166 = arith.constant 0 : i32
    %dma_start3A_167 = arith.constant 0 : i32
    %dma_start3A_168 = arith.constant 0 : i32
    %dma_start3A_169 = tpu.memref_slice %arg14[%dma_start3A_166, %dma_start3A_167, %dma_start3A_168] : memref<2x128x128xf32, #tpu.memory_space<vmem>> -> memref<1x128x128xf32, #tpu.memory_space<vmem>>
    %dma_start3A_170 = tpu.memref_squeeze %dma_start3A_169 : memref<1x128x128xf32, #tpu.memory_space<vmem>> -> memref<128x128xf32, #tpu.memory_space<vmem>>
    %dma_start3A_171 = arith.constant 0 : i32
    %dma_start3A_172 = arith.constant 0 : i32
    %dma_start3A_173 = tpu.memref_slice %arg2[%dma_start3A_171, %dma_start3A_172] : memref<10240x128xf32, #tpu.memory_space<hbm>> -> memref<10240x128xf32, #tpu.memory_space<hbm>>
    tpu.enqueue_indirect_dma source(%dma_start3A_173 : memref<10240x128xf32, #tpu.memory_space<hbm>>) target(%dma_start3A_170 : memref<128x128xf32, #tpu.memory_space<vmem>>) offsets(%arg8 : memref<128xi32, #tpu.memory_space<vmem>>) semaphore(%arg16 : memref<!tpu.dma_semaphore, #tpu.memory_space<semaphore_mem>>)
    %sub3A_174 = arith.constant 2 : i32
    %sub3A_175 = arith.subi %select_n3A, %sub3A_174 : i32
    %dma_wait3A_176 = arith.constant 0 : i32
    %dma_wait3A_177 = arith.constant 0 : i32
    %dma_wait3A_178 = arith.constant 0 : i32
    %dma_wait3A_179 = tpu.memref_slice %arg14[%dma_wait3A_176, %dma_wait3A_177, %dma_wait3A_178] : memref<2x128x128xf32, #tpu.memory_space<vmem>> -> memref<1x128x128xf32, #tpu.memory_space<vmem>>
    %dma_wait3A_180 = tpu.memref_squeeze %dma_wait3A_179 : memref<1x128x128xf32, #tpu.memory_space<vmem>> -> memref<128x128xf32, #tpu.memory_space<vmem>>
    %dma_wait3A_181 = arith.constant 0 : i32
    %dma_wait3A_182 = arith.constant 0 : i32
    %dma_wait3A_183 = tpu.memref_slice %arg2[%dma_wait3A_181, %dma_wait3A_182] : memref<10240x128xf32, #tpu.memory_space<hbm>> -> memref<10240x128xf32, #tpu.memory_space<hbm>>
    tpu.wait_indirect_dma semaphore(%arg16 : memref<!tpu.dma_semaphore, #tpu.memory_space<semaphore_mem>>) src(%dma_wait3A_183 : memref<10240x128xf32, #tpu.memory_space<hbm>>) dst(%dma_wait3A_180 : memref<128x128xf32, #tpu.memory_space<vmem>>)
    %dma_wait3A_184 = arith.constant 1 : i32
    %dma_wait3A_185 = arith.constant 0 : i32
    %dma_wait3A_186 = arith.constant 0 : i32
    %dma_wait3A_187 = tpu.memref_slice %arg14[%dma_wait3A_184, %dma_wait3A_185, %dma_wait3A_186] : memref<2x128x128xf32, #tpu.memory_space<vmem>> -> memref<1x128x128xf32, #tpu.memory_space<vmem>>
    %dma_wait3A_188 = tpu.memref_squeeze %dma_wait3A_187 : memref<1x128x128xf32, #tpu.memory_space<vmem>> -> memref<128x128xf32, #tpu.memory_space<vmem>>
    %dma_wait3A_189 = arith.constant 0 : i32
    %dma_wait3A_190 = arith.constant 0 : i32
    %dma_wait3A_191 = tpu.memref_slice %arg15[%dma_wait3A_189, %dma_wait3A_190] : memref<10240x128xf32, #tpu.memory_space<vmem_shared>> -> memref<10240x128xf32, #tpu.memory_space<vmem_shared>>
    tpu.wait_indirect_dma semaphore(%arg19 : memref<!tpu.dma_semaphore, #tpu.memory_space<semaphore_mem>>) src(%dma_wait3A_188 : memref<128x128xf32, #tpu.memory_space<vmem>>) dst(%dma_wait3A_191 : memref<10240x128xf32, #tpu.memory_space<vmem_shared>>)
    %dma_start3A_192 = arith.constant 0 : i32
    %dma_start3A_193 = arith.constant 0 : i32
    %dma_start3A_194 = arith.constant 0 : i32
    %dma_start3A_195 = tpu.memref_slice %arg14[%dma_start3A_192, %dma_start3A_193, %dma_start3A_194] : memref<2x128x128xf32, #tpu.memory_space<vmem>> -> memref<1x128x128xf32, #tpu.memory_space<vmem>>
    %dma_start3A_196 = tpu.memref_squeeze %dma_start3A_195 : memref<1x128x128xf32, #tpu.memory_space<vmem>> -> memref<128x128xf32, #tpu.memory_space<vmem>>
    %dma_start3A_197 = arith.constant 0 : i32
    %dma_start3A_198 = arith.constant 0 : i32
    %dma_start3A_199 = tpu.memref_slice %arg15[%dma_start3A_197, %dma_start3A_198] : memref<10240x128xf32, #tpu.memory_space<vmem_shared>> -> memref<10240x128xf32, #tpu.memory_space<vmem_shared>>
    tpu.enqueue_indirect_dma source(%dma_start3A_196 : memref<128x128xf32, #tpu.memory_space<vmem>>) target(%dma_start3A_199 : memref<10240x128xf32, #tpu.memory_space<vmem_shared>>) offsets(%arg12 : memref<128xi32, #tpu.memory_space<vmem>>) semaphore(%arg18 : memref<!tpu.dma_semaphore, #tpu.memory_space<semaphore_mem>>) {add = true}
    %add3A_200 = arith.constant 1 : i32
    %add3A_201 = arith.addi %sub3A_175, %add3A_200 : i32
    %mul3A_202 = arith.constant 128 : i32
    %mul3A_203 = arith.muli %add3A_201, %mul3A_202 : i32
    %add3A_204 = arith.addi %mul3A_7, %mul3A_203 : i32
    %dma_wait3A_205 = tpu.memref_slice %arg3[%add3A_204] : memref<327680xi32, #tpu.memory_space<hbm>> -> memref<128xi32, #tpu.memory_space<hbm>>
    %dma_wait3A_206 = tpu.memref_slice %arg3[%add3A_204] : memref<327680xi32, #tpu.memory_space<hbm>> -> memref<128xi32, #tpu.memory_space<hbm>>
    tpu.wait_dma2 semaphore(%arg23 : memref<!tpu.dma_semaphore, #tpu.memory_space<semaphore_mem>>) src(%dma_wait3A_206 : memref<128xi32, #tpu.memory_space<hbm>>) dst(%arg9 : memref<128xi32, #tpu.memory_space<vmem>>)
    %dma_wait3A_207 = tpu.memref_slice %arg4[%add3A_204] : memref<327680xi32, #tpu.memory_space<hbm>> -> memref<128xi32, #tpu.memory_space<hbm>>
    %dma_wait3A_208 = tpu.memref_slice %arg4[%add3A_204] : memref<327680xi32, #tpu.memory_space<hbm>> -> memref<128xi32, #tpu.memory_space<hbm>>
    tpu.wait_dma2 semaphore(%arg27 : memref<!tpu.dma_semaphore, #tpu.memory_space<semaphore_mem>>) src(%dma_wait3A_208 : memref<128xi32, #tpu.memory_space<hbm>>) dst(%arg13 : memref<128xi32, #tpu.memory_space<vmem>>)
    %dma_start3A_209 = arith.constant 1 : i32
    %dma_start3A_210 = arith.constant 0 : i32
    %dma_start3A_211 = arith.constant 0 : i32
    %dma_start3A_212 = tpu.memref_slice %arg14[%dma_start3A_209, %dma_start3A_210, %dma_start3A_211] : memref<2x128x128xf32, #tpu.memory_space<vmem>> -> memref<1x128x128xf32, #tpu.memory_space<vmem>>
    %dma_start3A_213 = tpu.memref_squeeze %dma_start3A_212 : memref<1x128x128xf32, #tpu.memory_space<vmem>> -> memref<128x128xf32, #tpu.memory_space<vmem>>
    %dma_start3A_214 = arith.constant 0 : i32
    %dma_start3A_215 = arith.constant 0 : i32
    %dma_start3A_216 = tpu.memref_slice %arg2[%dma_start3A_214, %dma_start3A_215] : memref<10240x128xf32, #tpu.memory_space<hbm>> -> memref<10240x128xf32, #tpu.memory_space<hbm>>
    tpu.enqueue_indirect_dma source(%dma_start3A_216 : memref<10240x128xf32, #tpu.memory_space<hbm>>) target(%dma_start3A_213 : memref<128x128xf32, #tpu.memory_space<vmem>>) offsets(%arg9 : memref<128xi32, #tpu.memory_space<vmem>>) semaphore(%arg17 : memref<!tpu.dma_semaphore, #tpu.memory_space<semaphore_mem>>)
    %sub3A_217 = arith.constant 1 : i32
    %sub3A_218 = arith.subi %select_n3A, %sub3A_217 : i32
    %dma_wait3A_219 = arith.constant 1 : i32
    %dma_wait3A_220 = arith.constant 0 : i32
    %dma_wait3A_221 = arith.constant 0 : i32
    %dma_wait3A_222 = tpu.memref_slice %arg14[%dma_wait3A_219, %dma_wait3A_220, %dma_wait3A_221] : memref<2x128x128xf32, #tpu.memory_space<vmem>> -> memref<1x128x128xf32, #tpu.memory_space<vmem>>
    %dma_wait3A_223 = tpu.memref_squeeze %dma_wait3A_222 : memref<1x128x128xf32, #tpu.memory_space<vmem>> -> memref<128x128xf32, #tpu.memory_space<vmem>>
    %dma_wait3A_224 = arith.constant 0 : i32
    %dma_wait3A_225 = arith.constant 0 : i32
    %dma_wait3A_226 = tpu.memref_slice %arg2[%dma_wait3A_224, %dma_wait3A_225] : memref<10240x128xf32, #tpu.memory_space<hbm>> -> memref<10240x128xf32, #tpu.memory_space<hbm>>
    tpu.wait_indirect_dma semaphore(%arg17 : memref<!tpu.dma_semaphore, #tpu.memory_space<semaphore_mem>>) src(%dma_wait3A_226 : memref<10240x128xf32, #tpu.memory_space<hbm>>) dst(%dma_wait3A_223 : memref<128x128xf32, #tpu.memory_space<vmem>>)
    %dma_wait3A_227 = arith.constant 0 : i32
    %dma_wait3A_228 = arith.constant 0 : i32
    %dma_wait3A_229 = arith.constant 0 : i32
    %dma_wait3A_230 = tpu.memref_slice %arg14[%dma_wait3A_227, %dma_wait3A_228, %dma_wait3A_229] : memref<2x128x128xf32, #tpu.memory_space<vmem>> -> memref<1x128x128xf32, #tpu.memory_space<vmem>>
    %dma_wait3A_231 = tpu.memref_squeeze %dma_wait3A_230 : memref<1x128x128xf32, #tpu.memory_space<vmem>> -> memref<128x128xf32, #tpu.memory_space<vmem>>
    %dma_wait3A_232 = arith.constant 0 : i32
    %dma_wait3A_233 = arith.constant 0 : i32
    %dma_wait3A_234 = tpu.memref_slice %arg15[%dma_wait3A_232, %dma_wait3A_233] : memref<10240x128xf32, #tpu.memory_space<vmem_shared>> -> memref<10240x128xf32, #tpu.memory_space<vmem_shared>>
    tpu.wait_indirect_dma semaphore(%arg18 : memref<!tpu.dma_semaphore, #tpu.memory_space<semaphore_mem>>) src(%dma_wait3A_231 : memref<128x128xf32, #tpu.memory_space<vmem>>) dst(%dma_wait3A_234 : memref<10240x128xf32, #tpu.memory_space<vmem_shared>>)
    %dma_start3A_235 = arith.constant 1 : i32
    %dma_start3A_236 = arith.constant 0 : i32
    %dma_start3A_237 = arith.constant 0 : i32
    %dma_start3A_238 = tpu.memref_slice %arg14[%dma_start3A_235, %dma_start3A_236, %dma_start3A_237] : memref<2x128x128xf32, #tpu.memory_space<vmem>> -> memref<1x128x128xf32, #tpu.memory_space<vmem>>
    %dma_start3A_239 = tpu.memref_squeeze %dma_start3A_238 : memref<1x128x128xf32, #tpu.memory_space<vmem>> -> memref<128x128xf32, #tpu.memory_space<vmem>>
    %dma_start3A_240 = arith.constant 0 : i32
    %dma_start3A_241 = arith.constant 0 : i32
    %dma_start3A_242 = tpu.memref_slice %arg15[%dma_start3A_240, %dma_start3A_241] : memref<10240x128xf32, #tpu.memory_space<vmem_shared>> -> memref<10240x128xf32, #tpu.memory_space<vmem_shared>>
    tpu.enqueue_indirect_dma source(%dma_start3A_239 : memref<128x128xf32, #tpu.memory_space<vmem>>) target(%dma_start3A_242 : memref<10240x128xf32, #tpu.memory_space<vmem_shared>>) offsets(%arg13 : memref<128xi32, #tpu.memory_space<vmem>>) semaphore(%arg19 : memref<!tpu.dma_semaphore, #tpu.memory_space<semaphore_mem>>) {add = true}
    %dma_wait3A_243 = arith.constant 1 : i32
    %dma_wait3A_244 = arith.constant 0 : i32
    %dma_wait3A_245 = arith.constant 0 : i32
    %dma_wait3A_246 = tpu.memref_slice %arg14[%dma_wait3A_243, %dma_wait3A_244, %dma_wait3A_245] : memref<2x128x128xf32, #tpu.memory_space<vmem>> -> memref<1x128x128xf32, #tpu.memory_space<vmem>>
    %dma_wait3A_247 = tpu.memref_squeeze %dma_wait3A_246 : memref<1x128x128xf32, #tpu.memory_space<vmem>> -> memref<128x128xf32, #tpu.memory_space<vmem>>
    %dma_wait3A_248 = arith.constant 0 : i32
    %dma_wait3A_249 = arith.constant 0 : i32
    %dma_wait3A_250 = tpu.memref_slice %arg15[%dma_wait3A_248, %dma_wait3A_249] : memref<10240x128xf32, #tpu.memory_space<vmem_shared>> -> memref<10240x128xf32, #tpu.memory_space<vmem_shared>>
    tpu.wait_indirect_dma semaphore(%arg19 : memref<!tpu.dma_semaphore, #tpu.memory_space<semaphore_mem>>) src(%dma_wait3A_247 : memref<128x128xf32, #tpu.memory_space<vmem>>) dst(%dma_wait3A_250 : memref<10240x128xf32, #tpu.memory_space<vmem_shared>>)
    %barrier3A_251 = arith.constant 0 : index
    tpu.barrier barrier_id(%barrier3A_251)
    %mul3A_252 = arith.constant 640 : i32
    %mul3A_253 = arith.muli %arg1, %mul3A_252 : i32
    %add3A_254 = arith.constant 0 : i32
    %add3A_255 = arith.addi %mul3A_253, %add3A_254 : i32
    "tpu.region"() ({
      %run_scoped3A_272 = tpu.sem_alloc : memref<!tpu.dma_semaphore, #tpu.memory_space<semaphore_mem>>
      %dma_start3A_273 = arith.constant 0 : i32
      %dma_start3A_274 = tpu.memref_slice %arg5[%arg0, %add3A_255, %dma_start3A_273] : memref<2x10240x128xf32, #tpu.memory_space<hbm>> -> memref<1x128x128xf32, #tpu.memory_space<hbm>>
      %dma_start3A_275 = tpu.memref_squeeze %dma_start3A_274 : memref<1x128x128xf32, #tpu.memory_space<hbm>> -> memref<128x128xf32, #tpu.memory_space<hbm>>
      %dma_start3A_276 = arith.constant 0 : i32
      %dma_start3A_277 = tpu.memref_slice %arg15[%add3A_255, %dma_start3A_276] : memref<10240x128xf32, #tpu.memory_space<vmem_shared>> -> memref<128x128xf32, #tpu.memory_space<vmem_shared>>
      tpu.enqueue_dma source(%dma_start3A_277 : memref<128x128xf32, #tpu.memory_space<vmem_shared>>) target(%dma_start3A_275 : memref<128x128xf32, #tpu.memory_space<hbm>>) target_semaphore(%run_scoped3A_272 : memref<!tpu.dma_semaphore, #tpu.memory_space<semaphore_mem>>)
      %dma_wait3A_278 = arith.constant 0 : i32
      %dma_wait3A_279 = tpu.memref_slice %arg5[%arg0, %add3A_255, %dma_wait3A_278] : memref<2x10240x128xf32, #tpu.memory_space<hbm>> -> memref<1x128x128xf32, #tpu.memory_space<hbm>>
      %dma_wait3A_280 = tpu.memref_squeeze %dma_wait3A_279 : memref<1x128x128xf32, #tpu.memory_space<hbm>> -> memref<128x128xf32, #tpu.memory_space<hbm>>
      %dma_wait3A_281 = arith.constant 0 : i32
      %dma_wait3A_282 = tpu.memref_slice %arg15[%add3A_255, %dma_wait3A_281] : memref<10240x128xf32, #tpu.memory_space<vmem_shared>> -> memref<128x128xf32, #tpu.memory_space<vmem_shared>>
      tpu.wait_dma2 semaphore(%run_scoped3A_272 : memref<!tpu.dma_semaphore, #tpu.memory_space<semaphore_mem>>) src(%dma_wait3A_282 : memref<128x128xf32, #tpu.memory_space<vmem_shared>>) dst(%dma_wait3A_280 : memref<128x128xf32, #tpu.memory_space<hbm>>)
      tpu.yield
    }) : () -> ()
    %mul3A_256 = arith.constant 640 : i32
    %mul3A_257 = arith.muli %arg1, %mul3A_256 : i32
    %add3A_258 = arith.constant 128 : i32
    %add3A_259 = arith.addi %mul3A_257, %add3A_258 : i32
    "tpu.region"() ({
      %run_scoped3A_272 = tpu.sem_alloc : memref<!tpu.dma_semaphore, #tpu.memory_space<semaphore_mem>>
      %dma_start3A_273 = arith.constant 0 : i32
      %dma_start3A_274 = tpu.memref_slice %arg5[%arg0, %add3A_259, %dma_start3A_273] : memref<2x10240x128xf32, #tpu.memory_space<hbm>> -> memref<1x128x128xf32, #tpu.memory_space<hbm>>
      %dma_start3A_275 = tpu.memref_squeeze %dma_start3A_274 : memref<1x128x128xf32, #tpu.memory_space<hbm>> -> memref<128x128xf32, #tpu.memory_space<hbm>>
      %dma_start3A_276 = arith.constant 0 : i32
      %dma_start3A_277 = tpu.memref_slice %arg15[%add3A_259, %dma_start3A_276] : memref<10240x128xf32, #tpu.memory_space<vmem_shared>> -> memref<128x128xf32, #tpu.memory_space<vmem_shared>>
      tpu.enqueue_dma source(%dma_start3A_277 : memref<128x128xf32, #tpu.memory_space<vmem_shared>>) target(%dma_start3A_275 : memref<128x128xf32, #tpu.memory_space<hbm>>) target_semaphore(%run_scoped3A_272 : memref<!tpu.dma_semaphore, #tpu.memory_space<semaphore_mem>>)
      %dma_wait3A_278 = arith.constant 0 : i32
      %dma_wait3A_279 = tpu.memref_slice %arg5[%arg0, %add3A_259, %dma_wait3A_278] : memref<2x10240x128xf32, #tpu.memory_space<hbm>> -> memref<1x128x128xf32, #tpu.memory_space<hbm>>
      %dma_wait3A_280 = tpu.memref_squeeze %dma_wait3A_279 : memref<1x128x128xf32, #tpu.memory_space<hbm>> -> memref<128x128xf32, #tpu.memory_space<hbm>>
      %dma_wait3A_281 = arith.constant 0 : i32
      %dma_wait3A_282 = tpu.memref_slice %arg15[%add3A_259, %dma_wait3A_281] : memref<10240x128xf32, #tpu.memory_space<vmem_shared>> -> memref<128x128xf32, #tpu.memory_space<vmem_shared>>
      tpu.wait_dma2 semaphore(%run_scoped3A_272 : memref<!tpu.dma_semaphore, #tpu.memory_space<semaphore_mem>>) src(%dma_wait3A_282 : memref<128x128xf32, #tpu.memory_space<vmem_shared>>) dst(%dma_wait3A_280 : memref<128x128xf32, #tpu.memory_space<hbm>>)
      tpu.yield
    }) : () -> ()
    %mul3A_260 = arith.constant 640 : i32
    %mul3A_261 = arith.muli %arg1, %mul3A_260 : i32
    %add3A_262 = arith.constant 256 : i32
    %add3A_263 = arith.addi %mul3A_261, %add3A_262 : i32
    "tpu.region"() ({
      %run_scoped3A_272 = tpu.sem_alloc : memref<!tpu.dma_semaphore, #tpu.memory_space<semaphore_mem>>
      %dma_start3A_273 = arith.constant 0 : i32
      %dma_start3A_274 = tpu.memref_slice %arg5[%arg0, %add3A_263, %dma_start3A_273] : memref<2x10240x128xf32, #tpu.memory_space<hbm>> -> memref<1x128x128xf32, #tpu.memory_space<hbm>>
      %dma_start3A_275 = tpu.memref_squeeze %dma_start3A_274 : memref<1x128x128xf32, #tpu.memory_space<hbm>> -> memref<128x128xf32, #tpu.memory_space<hbm>>
      %dma_start3A_276 = arith.constant 0 : i32
      %dma_start3A_277 = tpu.memref_slice %arg15[%add3A_263, %dma_start3A_276] : memref<10240x128xf32, #tpu.memory_space<vmem_shared>> -> memref<128x128xf32, #tpu.memory_space<vmem_shared>>
      tpu.enqueue_dma source(%dma_start3A_277 : memref<128x128xf32, #tpu.memory_space<vmem_shared>>) target(%dma_start3A_275 : memref<128x128xf32, #tpu.memory_space<hbm>>) target_semaphore(%run_scoped3A_272 : memref<!tpu.dma_semaphore, #tpu.memory_space<semaphore_mem>>)
      %dma_wait3A_278 = arith.constant 0 : i32
      %dma_wait3A_279 = tpu.memref_slice %arg5[%arg0, %add3A_263, %dma_wait3A_278] : memref<2x10240x128xf32, #tpu.memory_space<hbm>> -> memref<1x128x128xf32, #tpu.memory_space<hbm>>
      %dma_wait3A_280 = tpu.memref_squeeze %dma_wait3A_279 : memref<1x128x128xf32, #tpu.memory_space<hbm>> -> memref<128x128xf32, #tpu.memory_space<hbm>>
      %dma_wait3A_281 = arith.constant 0 : i32
      %dma_wait3A_282 = tpu.memref_slice %arg15[%add3A_263, %dma_wait3A_281] : memref<10240x128xf32, #tpu.memory_space<vmem_shared>> -> memref<128x128xf32, #tpu.memory_space<vmem_shared>>
      tpu.wait_dma2 semaphore(%run_scoped3A_272 : memref<!tpu.dma_semaphore, #tpu.memory_space<semaphore_mem>>) src(%dma_wait3A_282 : memref<128x128xf32, #tpu.memory_space<vmem_shared>>) dst(%dma_wait3A_280 : memref<128x128xf32, #tpu.memory_space<hbm>>)
      tpu.yield
    }) : () -> ()
    %mul3A_264 = arith.constant 640 : i32
    %mul3A_265 = arith.muli %arg1, %mul3A_264 : i32
    %add3A_266 = arith.constant 384 : i32
    %add3A_267 = arith.addi %mul3A_265, %add3A_266 : i32
    "tpu.region"() ({
      %run_scoped3A_272 = tpu.sem_alloc : memref<!tpu.dma_semaphore, #tpu.memory_space<semaphore_mem>>
      %dma_start3A_273 = arith.constant 0 : i32
      %dma_start3A_274 = tpu.memref_slice %arg5[%arg0, %add3A_267, %dma_start3A_273] : memref<2x10240x128xf32, #tpu.memory_space<hbm>> -> memref<1x128x128xf32, #tpu.memory_space<hbm>>
      %dma_start3A_275 = tpu.memref_squeeze %dma_start3A_274 : memref<1x128x128xf32, #tpu.memory_space<hbm>> -> memref<128x128xf32, #tpu.memory_space<hbm>>
      %dma_start3A_276 = arith.constant 0 : i32
      %dma_start3A_277 = tpu.memref_slice %arg15[%add3A_267, %dma_start3A_276] : memref<10240x128xf32, #tpu.memory_space<vmem_shared>> -> memref<128x128xf32, #tpu.memory_space<vmem_shared>>
      tpu.enqueue_dma source(%dma_start3A_277 : memref<128x128xf32, #tpu.memory_space<vmem_shared>>) target(%dma_start3A_275 : memref<128x128xf32, #tpu.memory_space<hbm>>) target_semaphore(%run_scoped3A_272 : memref<!tpu.dma_semaphore, #tpu.memory_space<semaphore_mem>>)
      %dma_wait3A_278 = arith.constant 0 : i32
      %dma_wait3A_279 = tpu.memref_slice %arg5[%arg0, %add3A_267, %dma_wait3A_278] : memref<2x10240x128xf32, #tpu.memory_space<hbm>> -> memref<1x128x128xf32, #tpu.memory_space<hbm>>
      %dma_wait3A_280 = tpu.memref_squeeze %dma_wait3A_279 : memref<1x128x128xf32, #tpu.memory_space<hbm>> -> memref<128x128xf32, #tpu.memory_space<hbm>>
      %dma_wait3A_281 = arith.constant 0 : i32
      %dma_wait3A_282 = tpu.memref_slice %arg15[%add3A_267, %dma_wait3A_281] : memref<10240x128xf32, #tpu.memory_space<vmem_shared>> -> memref<128x128xf32, #tpu.memory_space<vmem_shared>>
      tpu.wait_dma2 semaphore(%run_scoped3A_272 : memref<!tpu.dma_semaphore, #tpu.memory_space<semaphore_mem>>) src(%dma_wait3A_282 : memref<128x128xf32, #tpu.memory_space<vmem_shared>>) dst(%dma_wait3A_280 : memref<128x128xf32, #tpu.memory_space<hbm>>)
      tpu.yield
    }) : () -> ()
    %mul3A_268 = arith.constant 640 : i32
    %mul3A_269 = arith.muli %arg1, %mul3A_268 : i32
    %add3A_270 = arith.constant 512 : i32
    %add3A_271 = arith.addi %mul3A_269, %add3A_270 : i32
    "tpu.region"() ({
      %run_scoped3A_272 = tpu.sem_alloc : memref<!tpu.dma_semaphore, #tpu.memory_space<semaphore_mem>>
      %dma_start3A_273 = arith.constant 0 : i32
      %dma_start3A_274 = tpu.memref_slice %arg5[%arg0, %add3A_271, %dma_start3A_273] : memref<2x10240x128xf32, #tpu.memory_space<hbm>> -> memref<1x128x128xf32, #tpu.memory_space<hbm>>
      %dma_start3A_275 = tpu.memref_squeeze %dma_start3A_274 : memref<1x128x128xf32, #tpu.memory_space<hbm>> -> memref<128x128xf32, #tpu.memory_space<hbm>>
      %dma_start3A_276 = arith.constant 0 : i32
      %dma_start3A_277 = tpu.memref_slice %arg15[%add3A_271, %dma_start3A_276] : memref<10240x128xf32, #tpu.memory_space<vmem_shared>> -> memref<128x128xf32, #tpu.memory_space<vmem_shared>>
      tpu.enqueue_dma source(%dma_start3A_277 : memref<128x128xf32, #tpu.memory_space<vmem_shared>>) target(%dma_start3A_275 : memref<128x128xf32, #tpu.memory_space<hbm>>) target_semaphore(%run_scoped3A_272 : memref<!tpu.dma_semaphore, #tpu.memory_space<semaphore_mem>>)
      %dma_wait3A_278 = arith.constant 0 : i32
      %dma_wait3A_279 = tpu.memref_slice %arg5[%arg0, %add3A_271, %dma_wait3A_278] : memref<2x10240x128xf32, #tpu.memory_space<hbm>> -> memref<1x128x128xf32, #tpu.memory_space<hbm>>
      %dma_wait3A_280 = tpu.memref_squeeze %dma_wait3A_279 : memref<1x128x128xf32, #tpu.memory_space<hbm>> -> memref<128x128xf32, #tpu.memory_space<hbm>>
      %dma_wait3A_281 = arith.constant 0 : i32
      %dma_wait3A_282 = tpu.memref_slice %arg15[%add3A_271, %dma_wait3A_281] : memref<10240x128xf32, #tpu.memory_space<vmem_shared>> -> memref<128x128xf32, #tpu.memory_space<vmem_shared>>
      tpu.wait_dma2 semaphore(%run_scoped3A_272 : memref<!tpu.dma_semaphore, #tpu.memory_space<semaphore_mem>>) src(%dma_wait3A_282 : memref<128x128xf32, #tpu.memory_space<vmem_shared>>) dst(%dma_wait3A_280 : memref<128x128xf32, #tpu.memory_space<hbm>>)
      tpu.yield
    }) : () -> ()
    return
  }
}

module attributes {stable_mosaic.version = 14 : i64} {
  func.func @_xw_kernel(%arg0: i32, %arg1: memref<1024x128xf32, #tpu.memory_space<vmem>>, %arg2: memref<128x128xf32, #tpu.memory_space<vmem>>, %arg3: memref<32x1024xf32, #tpu.memory_space<vmem>>, %arg4: memref<1024x128xf32, #tpu.memory_space<vmem>>) attributes {dimension_semantics = [#tpu.dimension_semantics<arbitrary>], iteration_bounds = array<i64: 10>, scalar_prefetch = 0 : i64, scratch_operands = 0 : i64, tpu.core_type = #tpu.core_type<tc>, window_params = [{transform_indices = @transform_0, window_bounds = array<i64: 1024, 128>}, {pipeline_mode = #tpu.pipeline_mode<synchronous>, transform_indices = @transform_1, window_bounds = array<i64: 128, 128>}, {transform_indices = @transform_2, window_bounds = array<i64: 32, 1024>}, {transform_indices = @transform_3, window_bounds = array<i64: 1024, 128>}]} {
    %get3A = arith.constant 0 : index
    %get3A_0 = arith.constant 0 : index
    %get3A_1 = vector.load %arg3[%get3A, %get3A_0] : memref<32x1024xf32, #tpu.memory_space<vmem>>, vector<32x1024xf32>
    %reduce_sum3A = arith.constant dense<0.000000e+00> : vector<1024xf32>
    %reduce_sum3A_2 = vector.multi_reduction <add>, %get3A_1, %reduce_sum3A [0] : vector<32x1024xf32> to vector<1024xf32>
    %add3A = arith.constant 1.000000e+00 : f32
    %add3A_3 = vector.broadcast %add3A : f32 to vector<1024xf32>
    %add3A_4 = arith.addf %reduce_sum3A_2, %add3A_3 : vector<1024xf32>
    %rsqrt3A = math.rsqrt %add3A_4 : vector<1024xf32>
    %get3A_5 = arith.constant 0 : index
    %get3A_6 = arith.constant 0 : index
    %get3A_7 = vector.load %arg1[%get3A_5, %get3A_6] : memref<1024x128xf32, #tpu.memory_space<vmem>>, vector<1024x128xf32>
    %get3A_8 = arith.constant 0 : index
    %get3A_9 = arith.constant 0 : index
    %get3A_10 = vector.load %arg2[%get3A_8, %get3A_9] : memref<128x128xf32, #tpu.memory_space<vmem>>, vector<128x128xf32>
    %dot_general3A = arith.constant dense<0.000000e+00> : vector<1024x128xf32>
    %dot_general3A_11 = tpu.matmul %get3A_7, %get3A_10, %dot_general3A {dimension_numbers = #tpu.dot_dimension_numbers<[1], [0], [0], [1], [0, 0, 1, 1], [], []>, transpose_lhs_hint = false} : vector<1024x128xf32>, vector<128x128xf32>, vector<1024x128xf32> -> vector<1024x128xf32>
    %broadcast_in_dim3A = vector.shape_cast %rsqrt3A : vector<1024xf32> to vector<1024x1xf32>
    %mul3A = vector.broadcast %broadcast_in_dim3A : vector<1024x1xf32> to vector<1024x128xf32>
    %mul3A_12 = arith.mulf %dot_general3A_11, %mul3A : vector<1024x128xf32>
    %swap3A = arith.constant 0 : index
    %swap3A_13 = arith.constant 0 : index
    %swap3A_14 = vector.load %arg4[%swap3A, %swap3A_13] : memref<1024x128xf32, #tpu.memory_space<vmem>>, vector<1024x128xf32>
    tpu.vector_store %arg4[%swap3A, %swap3A_13], %mul3A_12 {strides = array<i32>} : memref<1024x128xf32, #tpu.memory_space<vmem>>, vector<1024x128xf32>,
    return
  }
  func.func @transform_0(%arg0: i32) -> (i32, i32) {
    %c0_i32 = arith.constant 0 : i32
    %c0_i32_0 = arith.constant 0 : i32
    return %arg0, %c0_i32 : i32, i32
  }
  func.func @transform_1(%arg0: i32) -> (i32, i32) {
    %c0_i32 = arith.constant 0 : i32
    %c0_i32_0 = arith.constant 0 : i32
    %c0_i32_1 = arith.constant 0 : i32
    return %c0_i32, %c0_i32_0 : i32, i32
  }
  func.func @transform_2(%arg0: i32) -> (i32, i32) {
    %c0_i32 = arith.constant 0 : i32
    %c0_i32_0 = arith.constant 0 : i32
    return %c0_i32, %arg0 : i32, i32
  }
  func.func @transform_3(%arg0: i32) -> (i32, i32) {
    %c0_i32 = arith.constant 0 : i32
    %c0_i32_0 = arith.constant 0 : i32
    return %arg0, %c0_i32 : i32, i32
  }
}

module attributes {stable_mosaic.version = 14 : i64} {
  func.func @_finish_kernel(%arg0: i32, %arg1: memref<2x1024x128xf32, #tpu.memory_space<vmem>>, %arg2: memref<1024x128xf32, #tpu.memory_space<vmem>>, %arg3: memref<32x1024xf32, #tpu.memory_space<vmem>>, %arg4: memref<1x128xf32, #tpu.memory_space<vmem>>, %arg5: memref<1x128xf32, #tpu.memory_space<vmem>>, %arg6: memref<1024x128xf32, #tpu.memory_space<vmem>>) attributes {dimension_semantics = [#tpu.dimension_semantics<arbitrary>], iteration_bounds = array<i64: 10>, scalar_prefetch = 0 : i64, scratch_operands = 0 : i64, tpu.core_type = #tpu.core_type<tc>, window_params = [{transform_indices = @transform_0, window_bounds = array<i64: 2, 1024, 128>}, {transform_indices = @transform_1, window_bounds = array<i64: 1024, 128>}, {transform_indices = @transform_2, window_bounds = array<i64: 32, 1024>}, {pipeline_mode = #tpu.pipeline_mode<synchronous>, transform_indices = @transform_3, window_bounds = array<i64: 1, 128>}, {pipeline_mode = #tpu.pipeline_mode<synchronous>, transform_indices = @transform_4, window_bounds = array<i64: 1, 128>}, {transform_indices = @transform_5, window_bounds = array<i64: 1024, 128>}]} {
    %get3A = arith.constant 0 : index
    %get3A_0 = arith.constant 0 : index
    %get3A_1 = vector.load %arg3[%get3A, %get3A_0] : memref<32x1024xf32, #tpu.memory_space<vmem>>, vector<32x1024xf32>
    %reduce_sum3A = arith.constant dense<0.000000e+00> : vector<1024xf32>
    %reduce_sum3A_2 = vector.multi_reduction <add>, %get3A_1, %reduce_sum3A [0] : vector<32x1024xf32> to vector<1024xf32>
    %add3A = arith.constant 1.000000e+00 : f32
    %add3A_3 = vector.broadcast %add3A : f32 to vector<1024xf32>
    %add3A_4 = arith.addf %reduce_sum3A_2, %add3A_3 : vector<1024xf32>
    %rsqrt3A = math.rsqrt %add3A_4 : vector<1024xf32>
    %get3A_5 = arith.constant 0 : index
    %get3A_6 = arith.constant 0 : index
    %get3A_7 = arith.constant 0 : index
    %get3A_8 = vector.load %arg1[%get3A_5, %get3A_6, %get3A_7] : memref<2x1024x128xf32, #tpu.memory_space<vmem>>, vector<2x1024x128xf32>
    %slice3A = vector.extract_strided_slice %get3A_8 {offsets = [0, 0, 0], sizes = [1, 1024, 128], strides = [1, 1, 1]} : vector<2x1024x128xf32> to vector<1x1024x128xf32>
    %squeeze3A = vector.shape_cast %slice3A : vector<1x1024x128xf32> to vector<1024x128xf32>
    %slice3A_9 = vector.extract_strided_slice %get3A_8 {offsets = [1, 0, 0], sizes = [1, 1024, 128], strides = [1, 1, 1]} : vector<2x1024x128xf32> to vector<1x1024x128xf32>
    %squeeze3A_10 = vector.shape_cast %slice3A_9 : vector<1x1024x128xf32> to vector<1024x128xf32>
    %add3A_11 = arith.addf %squeeze3A, %squeeze3A_10 : vector<1024x128xf32>
    %get3A_12 = arith.constant 0 : index
    %get3A_13 = arith.constant 0 : index
    %get3A_14 = vector.load %arg2[%get3A_12, %get3A_13] : memref<1024x128xf32, #tpu.memory_space<vmem>>, vector<1024x128xf32>
    %add3A_15 = arith.addf %add3A_11, %get3A_14 : vector<1024x128xf32>
    %broadcast_in_dim3A = vector.shape_cast %rsqrt3A : vector<1024xf32> to vector<1024x1xf32>
    %mul3A = vector.broadcast %broadcast_in_dim3A : vector<1024x1xf32> to vector<1024x128xf32>
    %mul3A_16 = arith.mulf %add3A_15, %mul3A : vector<1024x128xf32>
    %get3A_17 = arith.constant 0 : index
    %get3A_18 = arith.constant 0 : index
    %get3A_19 = vector.load %arg4[%get3A_17, %get3A_18] : memref<1x128xf32, #tpu.memory_space<vmem>>, vector<1x128xf32>
    %add3A_20 = vector.broadcast %get3A_19 : vector<1x128xf32> to vector<1024x128xf32>
    %add3A_21 = arith.addf %mul3A_16, %add3A_20 : vector<1024x128xf32>
    %ge3A = arith.constant 0.000000e+00 : f32
    %ge3A_22 = vector.broadcast %ge3A : f32 to vector<1024x128xf32>
    %ge3A_23 = arith.cmpf oge, %add3A_21, %ge3A_22 : vector<1024x128xf32>
    %get3A_24 = arith.constant 0 : index
    %get3A_25 = arith.constant 0 : index
    %get3A_26 = vector.load %arg5[%get3A_24, %get3A_25] : memref<1x128xf32, #tpu.memory_space<vmem>>, vector<1x128xf32>
    %mul3A_27 = vector.broadcast %get3A_26 : vector<1x128xf32> to vector<1024x128xf32>
    %mul3A_28 = arith.mulf %mul3A_27, %add3A_21 : vector<1024x128xf32>
    %select_n3A = arith.select %ge3A_23, %add3A_21, %mul3A_28 : vector<1024x128xi1>, vector<1024x128xf32>
    %swap3A = arith.constant 0 : index
    %swap3A_29 = arith.constant 0 : index
    %swap3A_30 = vector.load %arg6[%swap3A, %swap3A_29] : memref<1024x128xf32, #tpu.memory_space<vmem>>, vector<1024x128xf32>
    tpu.vector_store %arg6[%swap3A, %swap3A_29], %select_n3A {strides = array<i32>} : memref<1024x128xf32, #tpu.memory_space<vmem>>, vector<1024x128xf32>,
    return
  }
  func.func @transform_0(%arg0: i32) -> (i32, i32, i32) {
    %c0_i32 = arith.constant 0 : i32
    %c0_i32_0 = arith.constant 0 : i32
    %c0_i32_1 = arith.constant 0 : i32
    return %c0_i32, %arg0, %c0_i32_0 : i32, i32, i32
  }
  func.func @transform_1(%arg0: i32) -> (i32, i32) {
    %c0_i32 = arith.constant 0 : i32
    %c0_i32_0 = arith.constant 0 : i32
    return %arg0, %c0_i32 : i32, i32
  }
  func.func @transform_2(%arg0: i32) -> (i32, i32) {
    %c0_i32 = arith.constant 0 : i32
    %c0_i32_0 = arith.constant 0 : i32
    return %c0_i32, %arg0 : i32, i32
  }
  func.func @transform_3(%arg0: i32) -> (i32, i32) {
    %c0_i32 = arith.constant 0 : i32
    %c0_i32_0 = arith.constant 0 : i32
    %c0_i32_1 = arith.constant 0 : i32
    return %c0_i32, %c0_i32_0 : i32, i32
  }
  func.func @transform_4(%arg0: i32) -> (i32, i32) {
    %c0_i32 = arith.constant 0 : i32
    %c0_i32_0 = arith.constant 0 : i32
    %c0_i32_1 = arith.constant 0 : i32
    return %c0_i32, %c0_i32_0 : i32, i32
  }
  func.func @transform_5(%arg0: i32) -> (i32, i32) {
    %c0_i32 = arith.constant 0 : i32
    %c0_i32_0 = arith.constant 0 : i32
    return %arg0, %c0_i32 : i32, i32
  }
}

</mosaic_0001>

<sc_bundles>
// kernel: kernel.6.cloned.1.call-start
scs
__scs_entry_jumppad:
0x0: {  	(pc) =	sbr.rel $0x88, $3  }
0x1: {  	(tag) =	ssettag $0x0;
	lr =	simm.s32 $0x1  }
0x2: {  	[smem:$0x3F9C] =	sst lr;
	_ =	strace $0xD0000000  }
0x3: {  	_ = 	snop  }
0x4: {  	_ = 	snop  }
0x5: {  	_ = 	snop  }
0x6: {  	_ = 	snop  }
0x7: {  	_ = 	snop  }
__scs_overlays_trampoline_lowered:
0x8: {  	[smem:$0x3FAB] =	sst s0  }
0x9: {  	[smem:$0x3FAC] =	sst s1  }
0xa: {  	[smem:$0x3FAD] =	sst s2  }
0xb: {  	[smem:$0x3FAE] =	sst s3  }
0xc: {  	[smem:$0x3FAF] =	sst s4  }
0xd: {  	[smem:$0x3FB0] =	sst s5  }
0xe: {  	[smem:$0x3FB1] =	sst s6  }
0xf: {  	[smem:$0x3FB2] =	sst s7  }
0x10: {  	[smem:$0x3FB3] =	sst s8  }
0x11: {  	[smem:$0x3FB4] =	sst s9;
	s0 =	simm.s32 @!p0 $0x0  }
0x12: {  	s1 =	sld [smem:$0x3F9A];
	s0 =	simm.s32 @p0 $0x1  }
0x13: {  	[smem:$0x3FB5] =	sst s0;
	s0 =	simm.s32 @!p1 $0x0  }
0x14: {  	s2 =	sld [smem:$0x3F99];
	s0 =	simm.s32 @p1 $0x1  }
0x15: {  	[smem:$0x3FB6] =	sst s0;
	s0 =	simm.s32 @!p2 $0x0  }
0x16: {  	s3 =	sld [smem:$0x3FDB];
	s0 =	simm.s32 @p2 $0x1  }
0x17: {  	s4 =	simm.s32 $0x1BF5;
	[smem:$0x3FB8] =	sst s0  }
0x18: {  	s0 =	sld [smem:$0x3F9B];
	_ =	swait.ge [sflag:s4], $0x0  }
0x19: {  	s7 =	sld [smem:$0x3F9C]  }
0x1a: {  	s8 =	sadd.s32 $0xFFFFE003, lr  }
0x1b: {  	s9 =	sadd.s32 $0xFFFFFEF7, lr;
	s5 =	simm.s32 $0xFFFFFFFF;
	p2 =	slt.u32 s8, $0xFFFFF086  }
0x1c: {  	p1 =	slt.u32 s9, $0xF7A;
	s5 =	simm.s32 @!p2 $0x0  }
0x1d: {  	s5 =	simm.s32 @p1 $0x1;
	p0 =	seq.s32 s7, s2  }
0x1e: {  	s7 =	smul.u32 @!p0 $0xF7A, s2;
	p2 =	seq.s32 @!p0 s5, $0x0  }
0x1f: {  	s9 =	smul.u32 $0xF7A, s1;
	s8 =	simm.s32 @!p0 $0x1BF5;
	p2 =	por !p2, p0  }
0x20: {  	[sflag:s8] =	ssyncset.s32 @!p0 $0xFFFFF086;
	s6 =	sadd.s32 @!p0 s3, s7;
	s7 =	simm.s32 @!p0 $0x108  }
0x21: {  	s3 =	sadd.s32 s3, s9;
	s6 =	sadd.s32 @!p0 $0x88, s6;
	s7 =	simm.s32 @p2 $0x1082  }
0x22: {  	[simem:s7], [sflag:s8] =	dma.local @!p0 [hbm:s6], $0xF7A  }
0x23: {  	s9 =	sor.u32 $0xD0000000, s2;
	s6 =	simm.s32 $0x108;
	_ =	swait.ge @!p0 [sflag:s8], $0x0  }
0x24: {  	s3 =	sadd.s32 $0x88, s3;
	s6 =	simm.s32 @!p1 $0x1082;
	[sflag:s4] =	ssyncset.s32 $0xFFFFF086  }
0x25: {  	[simem:s6], [sflag:s4] =	dma.local [hbm:s3], $0xF7A  }
0x26: {  	[smem:$0x3F9C] =	sst s1;
	(tag) =	ssettag s2;
	_ =	strace s9  }
0x27: {  	s1 =	sld [smem:$0x3FAC]  }
0x28: {  	s2 =	sld [smem:$0x3FAD]  }
0x29: {  	s4 =	sld [smem:$0x3FAF]  }
0x2a: {  	p0 =	seq.s32 s5, $0x0;
	s5 =	sld [smem:$0x3FB0]  }
0x2b: {  	s6 =	sld [smem:$0x3FB1]  }
0x2c: {  	s7 =	sld [smem:$0x3FB2]  }
0x2d: {  	s3 =	simm.s32 $0x108;
	s8 =	sld [smem:$0x3FB3]  }
0x2e: {  	s3 =	simm.s32 @!p0 $0x1082;
	s9 =	sld [smem:$0x3FB4]  }
0x2f: {  	lr =	sadd.s32 s0, s3;
	s0 =	sld [smem:$0x3FAB]  }
0x30: {  	s3 =	sld [smem:$0x3FAE]  }
0x31: {  	[smem:$0x3FB7] =	sst s10  }
0x32: {  	s10 =	sld [smem:$0x3FB5];
	_ =	sdelay $0x3  }
0x33: {  	p0 =	seq.s32 s10, $0x1;
	s10 =	sld [smem:$0x3FB7];
	_ =	sdelay $0x3  }
0x34: {  	[smem:$0x3FB7] =	sst s10  }
0x35: {  	s10 =	sld [smem:$0x3FB6];
	_ =	sdelay $0x3  }
0x36: {  	p1 =	seq.s32 s10, $0x1;
	s10 =	sld [smem:$0x3FB7];
	_ =	sdelay $0x3  }
0x37: {  	[smem:$0x3FB7] =	sst s10  }
0x38: {  	s10 =	sld [smem:$0x3FB8]  }
0x39: {  	_ = 	snop;
	(pc) =	sbr.ind lr, $3  }
0x3a: {  	_ = 	snop  }
0x3b: {  	_ = 	snop  }
0x3c: {  	p2 =	seq.s32 s10, $0x1;
	s10 =	sld [smem:$0x3FB7]  }
0x3d: {  	_ =	shalt  }
0x3e: {  	_ =	shalt  }
0x3f: {  	_ =	shalt  }
0x40: {  	_ =	shalt  }
0x41: {  	_ =	shalt  }
0x42: {  	_ =	shalt  }
0x43: {  	_ =	shalt  }
0x44: {  	_ =	shalt  }
0x45: {  	_ =	shalt  }
0x46: {  	_ =	shalt  }
0x47: {  	_ =	shalt  }
0x48: {  	_ =	shalt  }
0x49: {  	_ =	shalt  }
0x4a: {  	_ =	shalt  }
0x4b: {  	_ =	shalt  }
0x4c: {  	_ =	shalt  }
0x4d: {  	_ =	shalt  }
0x4e: {  	_ =	shalt  }
0x4f: {  	_ =	shalt  }
0x50: {  	_ =	shalt  }
0x51: {  	_ =	shalt  }
0x52: {  	_ =	shalt  }
0x53: {  	_ =	shalt  }
0x54: {  	_ =	shalt  }
0x55: {  	_ =	shalt  }
0x56: {  	_ =	shalt  }
0x57: {  	_ =	shalt  }
0x58: {  	_ =	shalt  }
0x59: {  	_ =	shalt  }
0x5a: {  	_ =	shalt  }
0x5b: {  	_ =	shalt  }
0x5c: {  	_ =	shalt  }
0x5d: {  	_ =	shalt  }
0x5e: {  	_ =	shalt  }
0x5f: {  	_ =	shalt  }
0x60: {  	_ =	shalt  }
0x61: {  	_ =	shalt  }
0x62: {  	_ =	shalt  }
0x63: {  	_ =	shalt  }
0x64: {  	_ =	shalt  }
0x65: {  	_ =	shalt  }
0x66: {  	_ =	shalt  }
0x67: {  	_ =	shalt  }
0x68: {  	_ =	shalt  }
0x69: {  	_ =	shalt  }
0x6a: {  	_ =	shalt  }
0x6b: {  	_ =	shalt  }
0x6c: {  	_ =	shalt  }
0x6d: {  	_ =	shalt  }
0x6e: {  	_ =	shalt  }
0x6f: {  	_ =	shalt  }
0x70: {  	_ =	shalt  }
0x71: {  	_ =	shalt  }
0x72: {  	_ =	shalt  }
0x73: {  	_ =	shalt  }
0x74: {  	_ =	shalt  }
0x75: {  	_ =	shalt  }
0x76: {  	_ =	shalt  }
0x77: {  	_ =	shalt  }
0x78: {  	_ =	shalt  }
0x79: {  	_ =	shalt  }
0x7a: {  	_ =	shalt  }
0x7b: {  	_ =	shalt  }
0x7c: {  	_ =	shalt  }
0x7d: {  	_ =	shalt  }
0x7e: {  	_ =	shalt  }
0x7f: {  	_ =	shalt  }
0x80: {  	_ =	shalt  }
0x81: {  	_ =	shalt  }
0x82: {  	_ =	shalt  }
0x83: {  	_ =	shalt  }
0x84: {  	_ =	shalt  }
0x85: {  	_ =	shalt  }
0x86: {  	_ =	shalt  }
0x87: {  	_ =	shalt  }
.Lfunc_end0:
.L_simem_size_0:
called_computation_lowered:
.L_overlay_start_0:
0x88: {  	s2 =	sld [smem:$0x3FD9]  }
0x89: {  	s3 =	sld [smem:$0x3FFE];
	_ =	sdelay $0x1  }
0x8a: {  	s1 =	srdreg.scid  }
0x8b: {  	s0 =	sand.u32 $0x1, s1  }
0x8c: {  	s17 =	sshll.u32 s0, $0xA;
	s2 =	sadd.s32 s3, s2  }
0x8d: {  	s2 =	sadd.s32 s2, s17  }
0x8e: {  	[smem:$0x3FC3] =	sst s2  }
0x8f: {  	_ = 	snop  }
0x90: {  	s2 =	sld [smem:$0x3FD0];
	(tm) =	ssettm $0x1  }
0x91: {  	s18 =	sld [smem:$0x3FFB];
	_ =	sdelay $0x3  }
0x92: {  	_ =	strace s18  }
0x93: {  	s3 =	sld [smem:$0x3FFC];
	_ =	sdelay $0x3  }
0x94: {  	_ =	strace s3  }
0x95: {  	s3 =	sld [smem:$0x3FFD];
	_ =	sdelay $0x3  }
0x96: {  	_ =	strace s3  }
0x97: {  	_ =	strace $0x8FFFFFFF  }
0x98: {  	s19 =	sld [smem:$0x3FDB];
	_ =	sdelay $0x1  }
0x99: {  	s4 =	simm.s32 $_scs_section_size  }
0x9a: {  	s5 =	simm.s32 $_size__tile_overlayer_lowered;
	s6 =	simm.s32 $_tile_overlayer_lowered  }
0x9b: {  	s22 =	simm.s32 $0x1BFF;
	s21 =	sshll.u32 s6, $0x1;
	s3 =	sadd.s32 s4, s19  }
0x9c: {  	s7 =	simm.s32 $0x0;
	s20 =	sshll.u32 s5, $0x1;
	s5 =	sadd.s32 s21, s3  }
0x9d: {  	[timem:s7], [sflag:s22] =	dma.local [hbm:s5], s20  }
0x9e: {  	_ =	swait.ge [sflag:s22], s20  }
0x9f: {  	s4 =	ssub.s32 $0x0, s20;
	[sflag:s22] =	ssyncset.done $0x0  }
0xa0: {  	[sflag:s22] =	ssyncadd.s32 s4;
	_ =	sdelay $0x1  }
0xa1: {  	s23 =	simm.s32 $0x1B8B  }
0xa2: {  	_ =	swait.ge [sflag:s23], $0x1  }
0xa3: {  	[sflag:s23] =	ssyncset.done $0x0  }
0xa4: {  	s25 =	simm.s32 $0x1B8E;
	s24 =	sld [smem:$0x3FFE];
	[sflag:s23] =	ssyncadd.s32 $0xFFFFFFFF  }
0xa5: {  	s26 =	simm.s32 $execute0_lowered;
	[smem:$0x3FD2] =	sst s25  }
0xa6: {  	s5 =	sshll.u32 s26, $0x1;
	_ =	strace $0x80000046;
	[dreg:$0x1] =	wrdreg $0xFFFFFFFF  }
0xa7: {  	s28 =	simm.s32 $_size_execute0_lowered;
	s3 =	sadd.s32 s3, s5;
	[dreg:$0x0] =	wrdreg $0x0  }
0xa8: {  	s5 =	sshll.u32 s28, $0x1;
	[dreg:$0x2] =	wrdreg s3  }
0xa9: {  	[dreg:$0x3] =	wrdreg s5  }
0xaa: {  	[dreg:$0x4] =	wrdreg $0xC0  }
0xab: {  	_ =	task [dreg:s7], $0x5FFFF  }
0xac: {  	[dreg:$0x1] =	wrdreg $0xFFFFFFFF  }
0xad: {  	[dreg:$0x0] =	wrdreg $0x60  }
0xae: {  	[dreg:$0x2] =	wrdreg s2  }
0xaf: {  	[dreg:$0x3] =	wrdreg s24  }
0xb0: {  	[dreg:$0x4] =	wrdreg $0x9  }
0xb1: {  	_ =	task.clear_ibuf [dreg:s7], $0x5FFFF;
	_ =	strace $0x90000046  }
0xb2: {  	s29 =	simm.s32 $0x9;
	_ =	strace $0x80000048  }
0xb3: {  	_ =	swait.ge [sflag:s29], $0x1  }
0xb4: {  	[sflag:s29] =	ssyncadd.s32 $0xFFFFFFFF  }
0xb5: {  	_ =	strace $0x90000048  }
0xb6: {  	_ =	sfence  }
0xb7: {  	s30 =	sld [smem:$0x0];
	_ =	sdelay $0x2  }
0xb8: {  	s31 =	sshll.u32 s1, $0xD;
	s1 =	sshrl.u32 s1, $0x2  }
0xb9: {  	s3 =	sand.u32 $0x4000, s31;
	s1 =	sadd.s32 s1, s30  }
0xba: {  	s0 =	sor.u32 s3, s0;
	s1 =	sshll.u32 s1, $0x11  }
0xbb: {  	s0 =	sor.u32 s1, s0  }
0xbc: {  	s0 =	sadd.s32 $0x8F2B, s0  }
0xbd: {  	[sflag:s0] =	ssyncadd.remote.s32 $0x1  }
0xbe: {  	_ =	sfence.sel $0xFFFF  }
0xbf: {  	[dreg:$0x0] =	wrdreg $0xFFFFFFFF;
	(pc) =	sbr.abs _section_cstart, $3  }
0xc0: {  	[dreg:$0x1] =	wrdreg $0xFFFFFFFF  }
0xc1: {  	_ =	task.clear_ibuf [dreg:s7], $0x2FFFF;
	_ =	strace $0x9FFFFFFF  }
0xc2: {  	(tm) =	ssettm $0x7FFFFFFF  }
0xc3: {  	_ =	shalt  }
tec
execute0_lowered:
.L_overlay_start_1:
0x0: {  	(tag) =	ssettag $0x1  }
0x1: {  	s0 =	srdreg.scid  }
0x2: {  	s3 =	sand.u32 $0x1, s0  }
0x3: {  	s0 =	stileid.u32;
	s1 =	sshll.u32 s3, $0x4  }
0x4: {  	s5 =	rddreg [dreg:$0x0];
	s4 =	sor.u32 s0, s1  }
0x5: {  	s6 =	rddreg [dreg:$0x1];
	s2 =	simm.s32 $0x0;
	s1 =	sshrl.u32 s4, $0x3  }
0x6: {  	s9 =	simm.s32 $0x400;
	s8 =	sshll.u32 s0, $0x7;
	s7 =	smul.u32 $0x14000, s1  }
0x7: {  	s10 =	simm.s32 $0x0;
	s3 =	ssub.s32 $0x2, s3;
	s8 =	sand.u32 $0x380, s8  }
0x8: {  	[smem:$0x7FF] =	sst s2;
	s31 =	sshrl.u32 s3, $0x1;
	s7 =	sor.u32 s8, s7  }
0x9: {  	s4 =	smul.u32 $0x500, s4;
	s1 =	rddreg [dreg:$0x2];
	s7 =	sshrl.u32 s7, $0x3  }
0xa: {  	_ =	strace $0x80000047;
	s8 =	simm.s32 $0x80;
	s6 =	sadd.s32 s7, s6  }
0xb: {  	s7 =	ssub.s32 s3, s31;
	s3 =	sadd.s32 s5, s4;
	s4 =	sadd.s32 $0x1600, s6  }
0xc: {  	v0 =	vimm.f32 $0.0e+00;
	v1 =	vimm.f32 $1.000000000e+00;
	s5 =	smax.u32 s7, $0x1;
	s6 =	simm.s32 $0x1;
	s7 =	simm.s32 $0x2800  }
.LBB2_1:
0xd: {  	s11 =	simm.s32 $0x2840  }
0xe: {  	[tilespmem:s11+$0xFFFFFFC0] =	vst v0  }
0xf: {  	[tilespmem:s11+$0x30] =	vst v0  }
0x10: {  	[tilespmem:s11+$0x20] =	vst v0  }
0x11: {  	[tilespmem:s11+$0x10] =	vst v0  }
0x12: {  	[tilespmem:s11+$0x0] =	vst v0  }
0x13: {  	[tilespmem:s11+$0xFFFFFFF0] =	vst v0  }
0x14: {  	s12 =	simm.s32 $0x0;
	[tilespmem:s11+$0xFFFFFFE0] =	vst v0  }
.LBB2_2:
0x15: {  	s12 =	sadd.s32 $0x8, s12;
	[tilespmem:s11+$0xFFFFFFD0] =	vst v0;
	s11 =	sadd.s32 $0x80, s11  }
0x16: {  	[tilespmem:s11+$0xFFFFFFC0] =	vst v0;
	p0 =	slt.u32 s12, $0x278  }
0x17: {  	[tilespmem:s11+$0x30] =	vst v0  }
.Ltmp0:
0x18: {  	[tilespmem:s11+$0x20] =	vst v0;
	(pc) =	sbr.rel @p0 .LBB2_2-.Ltmp0, $4  }
0x19: {  	[tilespmem:s11+$0x10] =	vst v0  }
0x1a: {  	[tilespmem:s11+$0x0] =	vst v0  }
0x1b: {  	[tilespmem:s11+$0xFFFFFFF0] =	vst v0  }
0x1c: {  	[tilespmem:s11+$0xFFFFFFE0] =	vst v0  }
0x1d: {  	[tilespmem:s11+$0xFFFFFFD0] =	vst v0  }
0x1e: {  	[tilespmem:s2], [sflag:$0x1] =	stream.linear.gather [hbm4b:s3+s2], $0x2800, $0x38;
	[tilespmem:$0x5000] =	vst v63  }
0x1f: {  	_ =	swait.ge [sflag:s6], $0x2800  }
0x20: {  	[sflag:s6] =	ssyncset.done $0x0  }
0x21: {  	s11 =	simm.s32 $0xFFFFFFF8;
	s12 =	simm.s32 $0x40;
	[sflag:s6] =	ssyncadd.s32 $0xFFFFD800  }
.LBB2_4:
0x22: {  	v2 =	vld [tilespmem:s12+$0xFFFFFFC0];
	_ =	sdelay $0x7  }
0x23: {  	[tilespmem:v2+s7+$0x0] =	vst.idx.add.f32.msk $0xffff, v1  }
0x24: {  	v2 =	vld [tilespmem:s12+$0xFFFFFFD0];
	_ =	sdelay $0x7  }
0x25: {  	[tilespmem:v2+s7+$0x0] =	vst.idx.add.f32.msk $0xffff, v1  }
0x26: {  	v2 =	vld [tilespmem:s12+$0xFFFFFFE0];
	_ =	sdelay $0x7  }
0x27: {  	[tilespmem:v2+s7+$0x0] =	vst.idx.add.f32.msk $0xffff, v1  }
0x28: {  	v2 =	vld [tilespmem:s12+$0xFFFFFFF0];
	_ =	sdelay $0x7  }
0x29: {  	[tilespmem:v2+s7+$0x0] =	vst.idx.add.f32.msk $0xffff, v1  }
0x2a: {  	v2 =	vld [tilespmem:s12+$0x0];
	_ =	sdelay $0x7  }
0x2b: {  	[tilespmem:v2+s7+$0x0] =	vst.idx.add.f32.msk $0xffff, v1  }
0x2c: {  	v2 =	vld [tilespmem:s12+$0x10];
	_ =	sdelay $0x7  }
0x2d: {  	[tilespmem:v2+s7+$0x0] =	vst.idx.add.f32.msk $0xffff, v1  }
0x2e: {  	v2 =	vld [tilespmem:s12+$0x20];
	_ =	sdelay $0x7  }
0x2f: {  	[tilespmem:v2+s7+$0x0] =	vst.idx.add.f32.msk $0xffff, v1  }
0x30: {  	v2 =	vld [tilespmem:s12+$0x30];
	_ =	sdelay $0x1  }
0x31: {  	s11 =	sadd.s32 $0x8, s11  }
0x32: {  	p0 =	slt.u32 s11, $0x278  }
.Ltmp1:
0x33: {  	_ = 	snop;
	(pc) =	sbr.rel @p0 .LBB2_4-.Ltmp1, $2  }
0x34: {  	_ =	sdelay $0x2  }
0x35: {  	s12 =	sadd.s32 $0x80, s12;
	[tilespmem:v2+s7+$0x0] =	vst.idx.add.f32.msk $0xffff, v1  }
0x36: {  	s10 =	sadd.s32 $0x1, s10  }
0x37: {  	p0 =	sne.s32 s10, s5  }
.Ltmp2:
0x38: {  	_ = 	snop;
	(pc) =	sbr.rel @p0 .LBB2_1-.Ltmp2, $4  }
0x39: {  	[hbm4b:s4+s8] =	stream.strided.scatter [tilespmem:s7], [sflag:$0x1], $0x2800, s9, s8, $0x38;
	[tilespmem:$0x5000] =	vst v63  }
0x3a: {  	_ =	swait.ge [sflag:s6], $0x2800  }
0x3b: {  	[sflag:s6] =	ssyncset.done $0x0  }
0x3c: {  	[sflag:s6] =	ssyncadd.s32 $0xFFFFD800  }
0x3d: {  	_ =	sfence.sel $0x180000  }
0x3e: {  	[bflag:$0x0] =	sbarrier.arrive $0xFFFF  }
0x3f: {  	p0 =	sne.s32 s0, $0x0;
	_ =	strace $0x90000047  }
0x40: {  	s0 =	sadd.s32 @!p0 $0x100000, s1;
	[bflag:$0x2] =	sbarrier.arrive $0xFFFF  }
0x41: {  	[sflag:s0] =	ssyncadd.tile.s32 @!p0 $0x1;
	_ =	shalt  }
.Lfunc_end2:
_tile_overlayer_lowered:
.L_overlay_start_2:
0x42: {  	(tag) =	ssettag $0x2  }
0x43: {  	s0 =	rddreg [dreg:$0x0];
	s2 =	stileid.u32  }
0x44: {  	s1 =	rddreg [dreg:$0x1];
	p0 =	sne.s32 s2, $0x0  }
0x45: {  	s3 =	rddreg [dreg:$0x2];
	[bflag:$0x3] =	sbarrier.arrive $0xFFFF;
	s2 =	simm.s32 @!p0 $0x1C01  }
0x46: {  	[timem:s3], [sflag:s2] =	dma.local @!p0 [hbm:s0], s1  }
0x47: {  	s0 =	simm.s32 @!p0 $0x1  }
0x48: {  	_ =	swait.ge @!p0 [sflag:s0], s1  }
0x49: {  	s1 =	ssub.s32 @!p0 $0x0, s1;
	[sflag:s0] =	ssyncset.done @!p0 $0x0  }
0x4a: {  	[sflag:s0] =	ssyncadd.s32 @!p0 s1  }
0x4b: {  	[bflag:$0x3] =	sbarrier.arrive $0xFFFF  }
0x4c: {  	_ =	shalt  }

// kernel: kernel.9.cloned.1.call-start
scs
__scs_entry_jumppad:
0x0: {  	(pc) =	sbr.rel $0x88, $3  }
0x1: {  	(tag) =	ssettag $0x0;
	lr =	simm.s32 $0x1  }
0x2: {  	[smem:$0x3F9C] =	sst lr;
	_ =	strace $0xD0000000  }
0x3: {  	_ = 	snop  }
0x4: {  	_ = 	snop  }
0x5: {  	_ = 	snop  }
0x6: {  	_ = 	snop  }
0x7: {  	_ = 	snop  }
__scs_overlays_trampoline_lowered:
0x8: {  	[smem:$0x3FAB] =	sst s0  }
0x9: {  	[smem:$0x3FAC] =	sst s1  }
0xa: {  	[smem:$0x3FAD] =	sst s2  }
0xb: {  	[smem:$0x3FAE] =	sst s3  }
0xc: {  	[smem:$0x3FAF] =	sst s4  }
0xd: {  	[smem:$0x3FB0] =	sst s5  }
0xe: {  	[smem:$0x3FB1] =	sst s6  }
0xf: {  	[smem:$0x3FB2] =	sst s7  }
0x10: {  	[smem:$0x3FB3] =	sst s8  }
0x11: {  	[smem:$0x3FB4] =	sst s9;
	s0 =	simm.s32 @!p0 $0x0  }
0x12: {  	s1 =	sld [smem:$0x3F9A];
	s0 =	simm.s32 @p0 $0x1  }
0x13: {  	[smem:$0x3FB5] =	sst s0;
	s0 =	simm.s32 @!p1 $0x0  }
0x14: {  	s2 =	sld [smem:$0x3F99];
	s0 =	simm.s32 @p1 $0x1  }
0x15: {  	[smem:$0x3FB6] =	sst s0;
	s0 =	simm.s32 @!p2 $0x0  }
0x16: {  	s3 =	sld [smem:$0x3FDB];
	s0 =	simm.s32 @p2 $0x1  }
0x17: {  	s4 =	simm.s32 $0x1BF5;
	[smem:$0x3FB8] =	sst s0  }
0x18: {  	s0 =	sld [smem:$0x3F9B];
	_ =	swait.ge [sflag:s4], $0x0  }
0x19: {  	s7 =	sld [smem:$0x3F9C]  }
0x1a: {  	s8 =	sadd.s32 $0xFFFFE003, lr  }
0x1b: {  	s9 =	sadd.s32 $0xFFFFFEF7, lr;
	s5 =	simm.s32 $0xFFFFFFFF;
	p2 =	slt.u32 s8, $0xFFFFF086  }
0x1c: {  	p1 =	slt.u32 s9, $0xF7A;
	s5 =	simm.s32 @!p2 $0x0  }
0x1d: {  	s5 =	simm.s32 @p1 $0x1;
	p0 =	seq.s32 s7, s2  }
0x1e: {  	s7 =	smul.u32 @!p0 $0xF7A, s2;
	p2 =	seq.s32 @!p0 s5, $0x0  }
0x1f: {  	s9 =	smul.u32 $0xF7A, s1;
	s8 =	simm.s32 @!p0 $0x1BF5;
	p2 =	por !p2, p0  }
0x20: {  	[sflag:s8] =	ssyncset.s32 @!p0 $0xFFFFF086;
	s6 =	sadd.s32 @!p0 s3, s7;
	s7 =	simm.s32 @!p0 $0x108  }
0x21: {  	s3 =	sadd.s32 s3, s9;
	s6 =	sadd.s32 @!p0 $0x88, s6;
	s7 =	simm.s32 @p2 $0x1082  }
0x22: {  	[simem:s7], [sflag:s8] =	dma.local @!p0 [hbm:s6], $0xF7A  }
0x23: {  	s9 =	sor.u32 $0xD0000000, s2;
	s6 =	simm.s32 $0x108;
	_ =	swait.ge @!p0 [sflag:s8], $0x0  }
0x24: {  	s3 =	sadd.s32 $0x88, s3;
	s6 =	simm.s32 @!p1 $0x1082;
	[sflag:s4] =	ssyncset.s32 $0xFFFFF086  }
0x25: {  	[simem:s6], [sflag:s4] =	dma.local [hbm:s3], $0xF7A  }
0x26: {  	[smem:$0x3F9C] =	sst s1;
	(tag) =	ssettag s2;
	_ =	strace s9  }
0x27: {  	s1 =	sld [smem:$0x3FAC]  }
0x28: {  	s2 =	sld [smem:$0x3FAD]  }
0x29: {  	s4 =	sld [smem:$0x3FAF]  }
0x2a: {  	p0 =	seq.s32 s5, $0x0;
	s5 =	sld [smem:$0x3FB0]  }
0x2b: {  	s6 =	sld [smem:$0x3FB1]  }
0x2c: {  	s7 =	sld [smem:$0x3FB2]  }
0x2d: {  	s3 =	simm.s32 $0x108;
	s8 =	sld [smem:$0x3FB3]  }
0x2e: {  	s3 =	simm.s32 @!p0 $0x1082;
	s9 =	sld [smem:$0x3FB4]  }
0x2f: {  	lr =	sadd.s32 s0, s3;
	s0 =	sld [smem:$0x3FAB]  }
0x30: {  	s3 =	sld [smem:$0x3FAE]  }
0x31: {  	[smem:$0x3FB7] =	sst s10  }
0x32: {  	s10 =	sld [smem:$0x3FB5];
	_ =	sdelay $0x3  }
0x33: {  	p0 =	seq.s32 s10, $0x1;
	s10 =	sld [smem:$0x3FB7];
	_ =	sdelay $0x3  }
0x34: {  	[smem:$0x3FB7] =	sst s10  }
0x35: {  	s10 =	sld [smem:$0x3FB6];
	_ =	sdelay $0x3  }
0x36: {  	p1 =	seq.s32 s10, $0x1;
	s10 =	sld [smem:$0x3FB7];
	_ =	sdelay $0x3  }
0x37: {  	[smem:$0x3FB7] =	sst s10  }
0x38: {  	s10 =	sld [smem:$0x3FB8]  }
0x39: {  	_ = 	snop;
	(pc) =	sbr.ind lr, $3  }
0x3a: {  	_ = 	snop  }
0x3b: {  	_ = 	snop  }
0x3c: {  	p2 =	seq.s32 s10, $0x1;
	s10 =	sld [smem:$0x3FB7]  }
0x3d: {  	_ =	shalt  }
0x3e: {  	_ =	shalt  }
0x3f: {  	_ =	shalt  }
0x40: {  	_ =	shalt  }
0x41: {  	_ =	shalt  }
0x42: {  	_ =	shalt  }
0x43: {  	_ =	shalt  }
0x44: {  	_ =	shalt  }
0x45: {  	_ =	shalt  }
0x46: {  	_ =	shalt  }
0x47: {  	_ =	shalt  }
0x48: {  	_ =	shalt  }
0x49: {  	_ =	shalt  }
0x4a: {  	_ =	shalt  }
0x4b: {  	_ =	shalt  }
0x4c: {  	_ =	shalt  }
0x4d: {  	_ =	shalt  }
0x4e: {  	_ =	shalt  }
0x4f: {  	_ =	shalt  }
0x50: {  	_ =	shalt  }
0x51: {  	_ =	shalt  }
0x52: {  	_ =	shalt  }
0x53: {  	_ =	shalt  }
0x54: {  	_ =	shalt  }
0x55: {  	_ =	shalt  }
0x56: {  	_ =	shalt  }
0x57: {  	_ =	shalt  }
0x58: {  	_ =	shalt  }
0x59: {  	_ =	shalt  }
0x5a: {  	_ =	shalt  }
0x5b: {  	_ =	shalt  }
0x5c: {  	_ =	shalt  }
0x5d: {  	_ =	shalt  }
0x5e: {  	_ =	shalt  }
0x5f: {  	_ =	shalt  }
0x60: {  	_ =	shalt  }
0x61: {  	_ =	shalt  }
0x62: {  	_ =	shalt  }
0x63: {  	_ =	shalt  }
0x64: {  	_ =	shalt  }
0x65: {  	_ =	shalt  }
0x66: {  	_ =	shalt  }
0x67: {  	_ =	shalt  }
0x68: {  	_ =	shalt  }
0x69: {  	_ =	shalt  }
0x6a: {  	_ =	shalt  }
0x6b: {  	_ =	shalt  }
0x6c: {  	_ =	shalt  }
0x6d: {  	_ =	shalt  }
0x6e: {  	_ =	shalt  }
0x6f: {  	_ =	shalt  }
0x70: {  	_ =	shalt  }
0x71: {  	_ =	shalt  }
0x72: {  	_ =	shalt  }
0x73: {  	_ =	shalt  }
0x74: {  	_ =	shalt  }
0x75: {  	_ =	shalt  }
0x76: {  	_ =	shalt  }
0x77: {  	_ =	shalt  }
0x78: {  	_ =	shalt  }
0x79: {  	_ =	shalt  }
0x7a: {  	_ =	shalt  }
0x7b: {  	_ =	shalt  }
0x7c: {  	_ =	shalt  }
0x7d: {  	_ =	shalt  }
0x7e: {  	_ =	shalt  }
0x7f: {  	_ =	shalt  }
0x80: {  	_ =	shalt  }
0x81: {  	_ =	shalt  }
0x82: {  	_ =	shalt  }
0x83: {  	_ =	shalt  }
0x84: {  	_ =	shalt  }
0x85: {  	_ =	shalt  }
0x86: {  	_ =	shalt  }
0x87: {  	_ =	shalt  }
.Lfunc_end0:
.L_simem_size_0:
called_computation.1_lowered:
.L_overlay_start_0:
0x88: {  	s2 =	sld [smem:$0x3FD9]  }
0x89: {  	s3 =	sld [smem:$0x3FFE];
	_ =	sdelay $0x1  }
0x8a: {  	s1 =	srdreg.scid  }
0x8b: {  	s0 =	sand.u32 $0x1, s1  }
0x8c: {  	s17 =	sshll.u32 s0, $0xA;
	s2 =	sadd.s32 s3, s2  }
0x8d: {  	s2 =	sadd.s32 s2, s17  }
0x8e: {  	[smem:$0x3FC3] =	sst s2  }
0x8f: {  	_ = 	snop  }
0x90: {  	s2 =	sld [smem:$0x3FD0];
	(tm) =	ssettm $0x1  }
0x91: {  	s18 =	sld [smem:$0x3FFB];
	_ =	sdelay $0x3  }
0x92: {  	_ =	strace s18  }
0x93: {  	s3 =	sld [smem:$0x3FFC];
	_ =	sdelay $0x3  }
0x94: {  	_ =	strace s3  }
0x95: {  	s3 =	sld [smem:$0x3FFD];
	_ =	sdelay $0x3  }
0x96: {  	_ =	strace s3  }
0x97: {  	_ =	strace $0x8FFFFFFF  }
0x98: {  	s19 =	sld [smem:$0x3FDB];
	_ =	sdelay $0x1  }
0x99: {  	s4 =	simm.s32 $_scs_section_size  }
0x9a: {  	s5 =	simm.s32 $_size__tile_overlayer_lowered;
	s6 =	simm.s32 $_tile_overlayer_lowered  }
0x9b: {  	s22 =	simm.s32 $0x1BFF;
	s21 =	sshll.u32 s6, $0x1;
	s3 =	sadd.s32 s4, s19  }
0x9c: {  	s7 =	simm.s32 $0x0;
	s20 =	sshll.u32 s5, $0x1;
	s5 =	sadd.s32 s21, s3  }
0x9d: {  	[timem:s7], [sflag:s22] =	dma.local [hbm:s5], s20  }
0x9e: {  	_ =	swait.ge [sflag:s22], s20  }
0x9f: {  	s4 =	ssub.s32 $0x0, s20;
	[sflag:s22] =	ssyncset.done $0x0  }
0xa0: {  	[sflag:s22] =	ssyncadd.s32 s4;
	_ =	sdelay $0x1  }
0xa1: {  	s23 =	simm.s32 $0x1B8B  }
0xa2: {  	_ =	swait.ge [sflag:s23], $0x1  }
0xa3: {  	[sflag:s23] =	ssyncset.done $0x0  }
0xa4: {  	s25 =	simm.s32 $0x1B8E;
	s24 =	sld [smem:$0x3FFE];
	[sflag:s23] =	ssyncadd.s32 $0xFFFFFFFF  }
0xa5: {  	s26 =	simm.s32 $execute0_lowered;
	[smem:$0x3FD2] =	sst s25  }
0xa6: {  	s5 =	sshll.u32 s26, $0x1;
	_ =	strace $0x80000049;
	[dreg:$0x1] =	wrdreg $0xFFFFFFFF  }
0xa7: {  	s28 =	simm.s32 $_size_execute0_lowered;
	s3 =	sadd.s32 s3, s5;
	[dreg:$0x0] =	wrdreg $0x0  }
0xa8: {  	s5 =	sshll.u32 s28, $0x1;
	[dreg:$0x2] =	wrdreg s3  }
0xa9: {  	[dreg:$0x3] =	wrdreg s5  }
0xaa: {  	[dreg:$0x4] =	wrdreg $0xC0  }
0xab: {  	_ =	task [dreg:s7], $0x5FFFF  }
0xac: {  	[dreg:$0x1] =	wrdreg $0xFFFFFFFF  }
0xad: {  	[dreg:$0x0] =	wrdreg $0x60  }
0xae: {  	[dreg:$0x2] =	wrdreg s24  }
0xaf: {  	[dreg:$0x3] =	wrdreg s2  }
0xb0: {  	[dreg:$0x4] =	wrdreg $0x84000  }
0xb1: {  	[dreg:$0x5] =	wrdreg $0x9  }
0xb2: {  	_ =	task.clear_ibuf [dreg:s7], $0x6FFFF;
	_ =	strace $0x90000049  }
0xb3: {  	s29 =	simm.s32 $0x9;
	_ =	strace $0x8000004B  }
0xb4: {  	_ =	swait.ge [sflag:s29], $0x1  }
0xb5: {  	[sflag:s29] =	ssyncadd.s32 $0xFFFFFFFF  }
0xb6: {  	_ =	strace $0x9000004B  }
0xb7: {  	_ =	sfence  }
0xb8: {  	s30 =	sld [smem:$0x0];
	_ =	sdelay $0x2  }
0xb9: {  	s31 =	sshll.u32 s1, $0xD;
	s1 =	sshrl.u32 s1, $0x2  }
0xba: {  	s3 =	sand.u32 $0x4000, s31;
	s1 =	sadd.s32 s1, s30  }
0xbb: {  	s0 =	sor.u32 s3, s0;
	s1 =	sshll.u32 s1, $0x11  }
0xbc: {  	s0 =	sor.u32 s1, s0  }
0xbd: {  	s0 =	sadd.s32 $0x8F2B, s0  }
0xbe: {  	[sflag:s0] =	ssyncadd.remote.s32 $0x1  }
0xbf: {  	_ =	sfence.sel $0xFFFF  }
0xc0: {  	[dreg:$0x0] =	wrdreg $0xFFFFFFFF;
	(pc) =	sbr.abs _section_cstart, $3  }
0xc1: {  	[dreg:$0x1] =	wrdreg $0xFFFFFFFF  }
0xc2: {  	_ =	task.clear_ibuf [dreg:s7], $0x2FFFF;
	_ =	strace $0x9FFFFFFF  }
0xc3: {  	(tm) =	ssettm $0x7FFFFFFF  }
tec
execute0_lowered:
.L_overlay_start_1:
0x0: {  	(tag) =	ssettag $0x1  }
0x1: {  	s5 =	rddreg [dreg:$0x0]  }
0x2: {  	s0 =	rddreg [dreg:$0x1]  }
0x3: {  	s1 =	rddreg [dreg:$0x2]  }
0x4: {  	s2 =	simm.s32 $0x0;
	s3 =	srdreg.scid;
	s13 =	stileid.u32  }
0x5: {  	s11 =	simm.s32 $0x88;
	s28 =	simm.s32 $0x80;
	s29 =	simm.s32 $0x280  }
0x6: {  	s30 =	simm.s32 $0x100;
	s31 =	simm.s32 $0x300;
	[smem:$0x7FF] =	sst s2  }
0x7: {  	s4 =	sadd.s32 $0x15600, s5;
	s6 =	sand.u32 $0x1, s3;
	s8 =	smul.u32 $0x50000, s13  }
0x8: {  	s3 =	sadd.s32 $0xB600, s5;
	s10 =	sadd.s32 $0x3D600, s5;
	s7 =	smul.u32 $0x880, s6  }
0x9: {  	_ =	strace $0x8000004A;
	p0 =	seq.s32 s6, $0x0;
	s19 =	smul.u32 $0x140000, s6  }
0xa: {  	s20 =	ssub.s32 $0x2, s6;
	s6 =	smul.u32 $0x44000, s6;
	s11 =	simm.s32 @!p0 $0x18  }
0xb: {  	s9 =	sshrl.u32 s20, $0x1;
	s8 =	sshrl.u32 s8, $0x2;
	s12 =	smul.u32 s13, s11  }
0xc: {  	s13 =	smul.u32 $0x14000, s13;
	s5 =	ssub.s32 s20, s9;
	s11 =	sshll.u32 s11, $0x4  }
0xd: {  	s11 =	sadd.s32 $0xFFFFFFC0, s11;
	s21 =	sadd.s32 s7, s12;
	s7 =	sadd.s32 s8, s1  }
0xe: {  	s14 =	sadd.s32 $0x4000, s13;
	s15 =	sadd.s32 $0x8000, s13;
	s16 =	sadd.s32 $0xC000, s13  }
0xf: {  	s17 =	sadd.s32 $0x10000, s13;
	s12 =	sshll.u32 s12, $0x7;
	s13 =	sadd.s32 s13, s19  }
0x10: {  	[dreg:$0x4] =	wrdreg s11;
	s22 =	sadd.s32 s14, s1;
	s23 =	sadd.s32 s15, s1  }
0x11: {  	s24 =	sadd.s32 s16, s1;
	s18 =	sshll.u32 s21, $0x4;
	s9 =	sadd.s32 s17, s1  }
0x12: {  	s14 =	sadd.s32 s19, s14;
	s6 =	sadd.s32 s6, s12;
	[dreg:$0xd] =	wrdreg s22  }
0x13: {  	s12 =	sadd.s32 s19, s15;
	s15 =	sadd.s32 s19, s16;
	[dreg:$0xe] =	wrdreg s23  }
0x14: {  	s17 =	sadd.s32 s19, s17;
	[dreg:$0xf] =	wrdreg s24;
	s25 =	sadd.s32 s3, s18  }
0x15: {  	s26 =	sadd.s32 s0, s18;
	s8 =	sor.u32 $0x380, s6;
	s20 =	sor.u32 $0x300, s6  }
0x16: {  	s24 =	sor.u32 $0x280, s6;
	s6 =	sor.u32 $0x200, s6;
	[dreg:$0x10] =	wrdreg s25  }
0x17: {  	[dreg:$0x11] =	wrdreg s26;
	s16 =	sshrl.u32 s8, $0x3;
	s22 =	sshrl.u32 s20, $0x3  }
0x18: {  	s26 =	sor.u32 $0x10, s18;
	s20 =	sshrl.u32 s13, $0x3;
	s19 =	sadd.s32 s16, s0  }
0x19: {  	s6 =	sshrl.u32 s6, $0x3;
	s21 =	sadd.s32 s16, s3;
	[dreg:$0x5] =	wrdreg s19  }
0x1a: {  	s23 =	sadd.s32 s22, s0;
	s25 =	sadd.s32 s22, s3;
	[dreg:$0x6] =	wrdreg s21  }
0x1b: {  	s16 =	sshrl.u32 s24, $0x3;
	s11 =	sadd.s32 s3, s26;
	[dreg:$0x7] =	wrdreg s23  }
0x1c: {  	s22 =	sadd.s32 s10, s20;
	s20 =	sor.u32 $0x20, s18;
	[dreg:$0x8] =	wrdreg s25  }
0x1d: {  	s8 =	sadd.s32 s16, s0;
	[dreg:$0x12] =	wrdreg s11;
	s21 =	sadd.s32 s0, s26  }
0x1e: {  	[dreg:$0x14] =	wrdreg s22;
	s23 =	sshrl.u32 s14, $0x3;
	s25 =	sshrl.u32 s12, $0x3  }
0x1f: {  	s26 =	sshrl.u32 s15, $0x3;
	s15 =	sshrl.u32 s17, $0x3;
	[dreg:$0x9] =	wrdreg s8  }
0x20: {  	s16 =	sadd.s32 s16, s3;
	s19 =	sadd.s32 s6, s0;
	[dreg:$0x13] =	wrdreg s21  }
0x21: {  	s22 =	sadd.s32 s3, s20;
	s11 =	simm.s32 $0x6;
	[dreg:$0xa] =	wrdreg s16  }
0x22: {  	s12 =	simm.s32 $0xA;
	s24 =	sadd.s32 s10, s23;
	[dreg:$0xb] =	wrdreg s19  }
0x23: {  	s13 =	sadd.s32 s10, s25;
	s14 =	sadd.s32 s10, s26;
	[dreg:$0x19] =	wrdreg s22  }
0x24: {  	s17 =	sadd.s32 s10, s15;
	s21 =	sor.u32 $0x30, s18;
	[dreg:$0x15] =	wrdreg s24  }
0x25: {  	s23 =	sadd.s32 s0, s20;
	s25 =	smax.u32 s5, $0x1;
	[dreg:$0x16] =	wrdreg s13  }
0x26: {  	s26 =	sadd.s32 s6, s3;
	s10 =	simm.s32 $0x1;
	[dreg:$0x17] =	wrdreg s14  }
0x27: {  	s15 =	simm.s32 $0x380;
	s16 =	simm.s32 $0x2;
	[dreg:$0x18] =	wrdreg s17  }
0x28: {  	s18 =	simm.s32 $0x7;
	s19 =	simm.s32 $0xB;
	[dreg:$0x1a] =	wrdreg s23  }
0x29: {  	s20 =	simm.s32 $0x4;
	s22 =	simm.s32 $0xC;
	[dreg:$0x1d] =	wrdreg s25  }
0x2a: {  	s0 =	sadd.s32 s0, s21;
	s24 =	sadd.s32 s3, s21;
	[dreg:$0xc] =	wrdreg s26  }
0x2b: {  	s25 =	simm.s32 $0xD;
	s26 =	simm.s32 $0x200;
	s3 =	simm.s32 $0x9  }
0x2c: {  	s13 =	simm.s32 $0x4400;
	s14 =	simm.s32 $0x180;
	s17 =	simm.s32 $0x3  }
0x2d: {  	s21 =	simm.s32 $0x8;
	s23 =	simm.s32 $0x0;
	[dreg:$0x1b] =	wrdreg s0  }
0x2e: {  	v0 =	vimm.f32 $0.0e+00;
	[dreg:$0x1c] =	wrdreg s24;
	s24 =	simm.s32 $0x400;
	s0 =	simm.s32 $0x5  }
.LBB2_1:
0x2f: {  	s5 =	simm.s32 $0x0;
	s6 =	simm.s32 $0x200  }
.LBB2_2:
0x30: {  	p0 =	sne.s32 s6, $0xFE00;
	[tilespmem:s5+$0x470] =	vst v0  }
0x31: {  	[tilespmem:s5+$0x400] =	vst v0  }
0x32: {  	[tilespmem:s5+$0x410] =	vst v0  }
.Ltmp0:
0x33: {  	[tilespmem:s5+$0x420] =	vst v0;
	(pc) =	sbr.rel @p0 .LBB2_2-.Ltmp0, $4  }
0x34: {  	[tilespmem:s5+$0x430] =	vst v0  }
0x35: {  	[tilespmem:s5+$0x440] =	vst v0  }
0x36: {  	[tilespmem:s5+$0x450] =	vst v0  }
0x37: {  	[tilespmem:s5+$0x460] =	vst v0;
	s5 =	sshra.s32 s6, $0x2;
	s6 =	sadd.s32 $0x200, s6  }
0x38: {  	[tilespmem:s5+$0x470] =	vst v0  }
0x39: {  	[tilespmem:s5+$0x400] =	vst v0  }
0x3a: {  	[tilespmem:s5+$0x410] =	vst v0  }
0x3b: {  	[tilespmem:s5+$0x420] =	vst v0  }
0x3c: {  	[tilespmem:s5+$0x430] =	vst v0  }
0x3d: {  	[tilespmem:s5+$0x440] =	vst v0  }
0x3e: {  	[tilespmem:s5+$0x450] =	vst v0  }
0x3f: {  	[tilespmem:s5+$0x460] =	vst v0  }
0x40: {  	[spmem:s7] =	stream.linear.scatter [tilespmem:s24], [sflag:$0xD], $0x4000, $0x38;
	[tilespmem:$0x1C400] =	vst v63  }
0x41: {  	_ =	swait.ge [sflag:s25], $0x4000  }
0x42: {  	[sflag:s25] =	ssyncset.done $0x0  }
0x43: {  	s6 =	rddreg [dreg:$0xd];
	[sflag:s25] =	ssyncadd.s32 $0xFFFFC000  }
0x44: {  	[spmem:s6] =	stream.linear.scatter [tilespmem:s24], [sflag:$0xD], $0x4000, $0x38;
	[tilespmem:$0x1C400] =	vst v63  }
0x45: {  	_ =	swait.ge [sflag:s25], $0x4000  }
0x46: {  	[sflag:s25] =	ssyncset.done $0x0  }
0x47: {  	s8 =	smov.u32 s7;
	s7 =	rddreg [dreg:$0xe];
	[sflag:s25] =	ssyncadd.s32 $0xFFFFC000  }
0x48: {  	[spmem:s7] =	stream.linear.scatter [tilespmem:s24], [sflag:$0xD], $0x4000, $0x38;
	[tilespmem:$0x1C400] =	vst v63  }
0x49: {  	_ =	swait.ge [sflag:s25], $0x4000  }
0x4a: {  	[sflag:s25] =	ssyncset.done $0x0  }
0x4b: {  	s6 =	rddreg [dreg:$0xf];
	[sflag:s25] =	ssyncadd.s32 $0xFFFFC000  }
0x4c: {  	[spmem:s6] =	stream.linear.scatter [tilespmem:s24], [sflag:$0xD], $0x4000, $0x38;
	[tilespmem:$0x1C400] =	vst v63  }
0x4d: {  	_ =	swait.ge [sflag:s25], $0x4000  }
0x4e: {  	[sflag:s25] =	ssyncset.done $0x0  }
0x4f: {  	[sflag:s25] =	ssyncadd.s32 $0xFFFFC000  }
0x50: {  	[spmem:s9] =	stream.linear.scatter [tilespmem:s24], [sflag:$0xD], $0x4000, $0x38;
	[tilespmem:$0x1C400] =	vst v63  }
0x51: {  	_ =	swait.ge [sflag:s25], $0x4000  }
0x52: {  	[sflag:s25] =	ssyncset.done $0x0  }
0x53: {  	[sflag:s25] =	ssyncadd.s32 $0xFFFFC000  }
0x54: {  	[bflag:$0x0] =	sbarrier.arrive $0xFFFF  }
0x55: {  	s5 =	simm.s32 $0x0;
	s6 =	rddreg [dreg:$0x10]  }
0x56: {  	[tilespmem:s5], [sflag:$0x5] =	stream.linear.gather [hbm4b:s6+s5], $0x80, $0x38;
	[tilespmem:$0x1C400] =	vst v63  }
0x57: {  	s7 =	rddreg [dreg:$0x11]  }
0x58: {  	[tilespmem:s26], [sflag:$0x9] =	stream.linear.gather [hbm4b:s7+s5], $0x80, $0x38;
	[tilespmem:$0x1C400] =	vst v63  }
0x59: {  	s7 =	rddreg [dreg:$0x12]  }
0x5a: {  	[tilespmem:s28], [sflag:$0x6] =	stream.linear.gather [hbm4b:s7+s5], $0x80, $0x38;
	[tilespmem:$0x1C400] =	vst v63  }
0x5b: {  	s7 =	rddreg [dreg:$0x13]  }
0x5c: {  	[tilespmem:s29], [sflag:$0xA] =	stream.linear.gather [hbm4b:s7+s5], $0x80, $0x38;
	[tilespmem:$0x1C400] =	vst v63  }
0x5d: {  	s7 =	rddreg [dreg:$0x19]  }
0x5e: {  	[tilespmem:s30], [sflag:$0x7] =	stream.linear.gather [hbm4b:s7+s5], $0x80, $0x38;
	[tilespmem:$0x1C400] =	vst v63  }
0x5f: {  	s7 =	rddreg [dreg:$0x1a]  }
0x60: {  	[tilespmem:s31], [sflag:$0xB] =	stream.linear.gather [hbm4b:s7+s5], $0x80, $0x38;
	[tilespmem:$0x1C400] =	vst v63  }
0x61: {  	_ =	swait.ge [sflag:s0], $0x80  }
0x62: {  	[sflag:s0] =	ssyncset.done $0x0  }
0x63: {  	[sflag:s0] =	ssyncadd.s32 $0xFFFFFF80  }
0x64: {  	_ =	swait.ge [sflag:s3], $0x80  }
0x65: {  	[sflag:s3] =	ssyncset.done $0x0  }
0x66: {  	[sflag:s3] =	ssyncadd.s32 $0xFFFFFF80  }
0x67: {  	[tilespmem:s24], [sflag:$0x1] =	stream.indirect.gather [hbm4b:s4+s28], $0x80, s5, s28, $0xb8;
	[tilespmem:$0x1C400] =	vst v63  }
0x68: {  	_ =	swait.ge [sflag:s10], $0x4000  }
0x69: {  	[sflag:s10] =	ssyncset.done $0x0  }
0x6a: {  	[sflag:s10] =	ssyncadd.s32 $0xFFFFC000  }
0x6b: {  	[spmem:s1] =	stream.indirect.scatter.add.f32 [tilespmem:s24], [sflag:$0x3], $0x80, s26, s28, $0xb8;
	[tilespmem:$0x1C400] =	vst v63  }
0x6c: {  	_ =	swait.ge [sflag:s11], $0x80  }
0x6d: {  	[sflag:s11] =	ssyncset.done $0x0  }
0x6e: {  	[sflag:s11] =	ssyncadd.s32 $0xFFFFFF80  }
0x6f: {  	_ =	swait.ge [sflag:s12], $0x80  }
0x70: {  	[sflag:s12] =	ssyncset.done $0x0  }
0x71: {  	[sflag:s12] =	ssyncadd.s32 $0xFFFFFF80  }
0x72: {  	[tilespmem:s13], [sflag:$0x2] =	stream.indirect.gather [hbm4b:s4+s28], $0x80, s28, s28, $0xb8;
	[tilespmem:$0x1C400] =	vst v63  }
0x73: {  	s7 =	rddreg [dreg:$0x1c]  }
0x74: {  	[tilespmem:s14], [sflag:$0x8] =	stream.linear.gather [hbm4b:s7+s5], $0x80, $0x38;
	[tilespmem:$0x1C400] =	vst v63  }
0x75: {  	s7 =	rddreg [dreg:$0x1b]  }
0x76: {  	[tilespmem:s15], [sflag:$0xC] =	stream.linear.gather [hbm4b:s7+s5], $0x80, $0x38;
	[tilespmem:$0x1C400] =	vst v63  }
.LBB2_4:
0x77: {  	_ =	swait.ge [sflag:s16], $0x4000  }
0x78: {  	[sflag:s16] =	ssyncset.done $0x0  }
0x79: {  	[sflag:s16] =	ssyncadd.s32 $0xFFFFC000  }
0x7a: {  	_ =	swait.ge [sflag:s17], $0x4000  }
0x7b: {  	[sflag:s17] =	ssyncset.done $0x0  }
0x7c: {  	[sflag:s17] =	ssyncadd.s32 $0xFFFFC000  }
0x7d: {  	[spmem:s1] =	stream.indirect.scatter.add.f32 [tilespmem:s13], [sflag:$0x4], $0x80, s29, s28, $0xb8;
	[tilespmem:$0x1C400] =	vst v63  }
0x7e: {  	_ =	swait.ge [sflag:s18], $0x80  }
0x7f: {  	[sflag:s18] =	ssyncset.done $0x0  }
0x80: {  	[sflag:s18] =	ssyncadd.s32 $0xFFFFFF80  }
0x81: {  	_ =	swait.ge [sflag:s19], $0x80  }
0x82: {  	[sflag:s19] =	ssyncset.done $0x0  }
0x83: {  	s6 =	rddreg [dreg:$0xc];
	[sflag:s19] =	ssyncadd.s32 $0xFFFFFF80  }
0x84: {  	[tilespmem:s24], [sflag:$0x1] =	stream.indirect.gather [hbm4b:s4+s28], $0x80, s30, s28, $0xb8;
	[tilespmem:$0x1C400] =	vst v63  }
0x85: {  	s7 =	rddreg [dreg:$0xb];
	s6 =	sadd.s32 s5, s6  }
0x86: {  	[tilespmem:s2], [sflag:$0x5] =	stream.linear.gather [hbm4b:s6+s2], $0x80, $0x38;
	[tilespmem:$0x1C400] =	vst v63  }
0x87: {  	s7 =	sadd.s32 s5, s7  }
0x88: {  	[tilespmem:s26], [sflag:$0x9] =	stream.linear.gather [hbm4b:s7+s2], $0x80, $0x38;
	[tilespmem:$0x1C400] =	vst v63  }
0x89: {  	_ =	swait.ge [sflag:s10], $0x4000  }
0x8a: {  	[sflag:s10] =	ssyncset.done $0x0  }
0x8b: {  	[sflag:s10] =	ssyncadd.s32 $0xFFFFC000  }
0x8c: {  	_ =	swait.ge [sflag:s20], $0x4000  }
0x8d: {  	[sflag:s20] =	ssyncset.done $0x0  }
0x8e: {  	[sflag:s20] =	ssyncadd.s32 $0xFFFFC000  }
0x8f: {  	[spmem:s1] =	stream.indirect.scatter.add.f32 [tilespmem:s24], [sflag:$0x3], $0x80, s31, s28, $0xb8;
	[tilespmem:$0x1C400] =	vst v63  }
0x90: {  	_ =	swait.ge [sflag:s21], $0x80  }
0x91: {  	[sflag:s21] =	ssyncset.done $0x0  }
0x92: {  	[sflag:s21] =	ssyncadd.s32 $0xFFFFFF80  }
0x93: {  	_ =	swait.ge [sflag:s22], $0x80  }
0x94: {  	[sflag:s22] =	ssyncset.done $0x0  }
0x95: {  	s6 =	rddreg [dreg:$0xa];
	[sflag:s22] =	ssyncadd.s32 $0xFFFFFF80  }
0x96: {  	[tilespmem:s13], [sflag:$0x2] =	stream.indirect.gather [hbm4b:s4+s28], $0x80, s14, s28, $0xb8;
	[tilespmem:$0x1C400] =	vst v63  }
0x97: {  	s7 =	rddreg [dreg:$0x9];
	s6 =	sadd.s32 s5, s6  }
0x98: {  	[tilespmem:s28], [sflag:$0x6] =	stream.linear.gather [hbm4b:s6+s2], $0x80, $0x38;
	[tilespmem:$0x1C400] =	vst v63  }
0x99: {  	s7 =	sadd.s32 s5, s7  }
0x9a: {  	[tilespmem:s29], [sflag:$0xA] =	stream.linear.gather [hbm4b:s7+s2], $0x80, $0x38;
	[tilespmem:$0x1C400] =	vst v63  }
0x9b: {  	_ =	swait.ge [sflag:s16], $0x4000  }
0x9c: {  	[sflag:s16] =	ssyncset.done $0x0  }
0x9d: {  	[sflag:s16] =	ssyncadd.s32 $0xFFFFC000  }
0x9e: {  	_ =	swait.ge [sflag:s17], $0x4000  }
0x9f: {  	[sflag:s17] =	ssyncset.done $0x0  }
0xa0: {  	[sflag:s17] =	ssyncadd.s32 $0xFFFFC000  }
0xa1: {  	[spmem:s1] =	stream.indirect.scatter.add.f32 [tilespmem:s13], [sflag:$0x4], $0x80, s15, s28, $0xb8;
	[tilespmem:$0x1C400] =	vst v63  }
0xa2: {  	_ =	swait.ge [sflag:s0], $0x80  }
0xa3: {  	[sflag:s0] =	ssyncset.done $0x0  }
0xa4: {  	[sflag:s0] =	ssyncadd.s32 $0xFFFFFF80  }
0xa5: {  	_ =	swait.ge [sflag:s3], $0x80  }
0xa6: {  	[sflag:s3] =	ssyncset.done $0x0  }
0xa7: {  	s6 =	rddreg [dreg:$0x8];
	[sflag:s3] =	ssyncadd.s32 $0xFFFFFF80  }
0xa8: {  	[tilespmem:s24], [sflag:$0x1] =	stream.indirect.gather [hbm4b:s4+s28], $0x80, s2, s28, $0xb8;
	[tilespmem:$0x1C400] =	vst v63  }
0xa9: {  	s7 =	rddreg [dreg:$0x7];
	s6 =	sadd.s32 s5, s6  }
0xaa: {  	[tilespmem:s30], [sflag:$0x7] =	stream.linear.gather [hbm4b:s6+s2], $0x80, $0x38;
	[tilespmem:$0x1C400] =	vst v63  }
0xab: {  	s7 =	sadd.s32 s5, s7  }
0xac: {  	[tilespmem:s31], [sflag:$0xB] =	stream.linear.gather [hbm4b:s7+s2], $0x80, $0x38;
	[tilespmem:$0x1C400] =	vst v63  }
0xad: {  	_ =	swait.ge [sflag:s10], $0x4000  }
0xae: {  	[sflag:s10] =	ssyncset.done $0x0  }
0xaf: {  	[sflag:s10] =	ssyncadd.s32 $0xFFFFC000  }
0xb0: {  	_ =	swait.ge [sflag:s20], $0x4000  }
0xb1: {  	[sflag:s20] =	ssyncset.done $0x0  }
0xb2: {  	[sflag:s20] =	ssyncadd.s32 $0xFFFFC000  }
0xb3: {  	[spmem:s1] =	stream.indirect.scatter.add.f32 [tilespmem:s24], [sflag:$0x3], $0x80, s26, s28, $0xb8;
	[tilespmem:$0x1C400] =	vst v63  }
0xb4: {  	_ =	swait.ge [sflag:s11], $0x80  }
0xb5: {  	[sflag:s11] =	ssyncset.done $0x0  }
0xb6: {  	[sflag:s11] =	ssyncadd.s32 $0xFFFFFF80  }
0xb7: {  	_ =	swait.ge [sflag:s12], $0x80  }
0xb8: {  	[sflag:s12] =	ssyncset.done $0x0  }
0xb9: {  	s6 =	rddreg [dreg:$0x6];
	[sflag:s12] =	ssyncadd.s32 $0xFFFFFF80  }
0xba: {  	[tilespmem:s13], [sflag:$0x2] =	stream.indirect.gather [hbm4b:s4+s28], $0x80, s28, s28, $0xb8;
	[tilespmem:$0x1C400] =	vst v63  }
0xbb: {  	s7 =	rddreg [dreg:$0x5];
	s6 =	sadd.s32 s5, s6  }
0xbc: {  	[tilespmem:s14], [sflag:$0x8] =	stream.linear.gather [hbm4b:s6+s2], $0x80, $0x38;
	[tilespmem:$0x1C400] =	vst v63  }
0xbd: {  	s6 =	sadd.s32 s5, s7;
	s7 =	rddreg [dreg:$0x4];
	s5 =	sadd.s32 $0x40, s5  }
0xbe: {  	p0 =	sne.s32 s7, s5  }
.Ltmp1:
0xbf: {  	_ = 	snop;
	(pc) =	sbr.rel @p0 .LBB2_4-.Ltmp1, $2  }
0xc0: {  	_ =	sdelay $0x2  }
0xc1: {  	[tilespmem:s15], [sflag:$0xC] =	stream.linear.gather [hbm4b:s6+s2], $0x80, $0x38;
	[tilespmem:$0x1C400] =	vst v63  }
0xc2: {  	_ =	swait.ge [sflag:s16], $0x4000  }
0xc3: {  	[sflag:s16] =	ssyncset.done $0x0  }
0xc4: {  	[sflag:s16] =	ssyncadd.s32 $0xFFFFC000  }
0xc5: {  	_ =	swait.ge [sflag:s17], $0x4000  }
0xc6: {  	[sflag:s17] =	ssyncset.done $0x0  }
0xc7: {  	[sflag:s17] =	ssyncadd.s32 $0xFFFFC000  }
0xc8: {  	[spmem:s1] =	stream.indirect.scatter.add.f32 [tilespmem:s13], [sflag:$0x4], $0x80, s29, s28, $0xb8;
	[tilespmem:$0x1C400] =	vst v63  }
0xc9: {  	_ =	swait.ge [sflag:s18], $0x80  }
0xca: {  	[sflag:s18] =	ssyncset.done $0x0  }
0xcb: {  	[sflag:s18] =	ssyncadd.s32 $0xFFFFFF80  }
0xcc: {  	_ =	swait.ge [sflag:s19], $0x80  }
0xcd: {  	[sflag:s19] =	ssyncset.done $0x0  }
0xce: {  	[sflag:s19] =	ssyncadd.s32 $0xFFFFFF80  }
0xcf: {  	[tilespmem:s24], [sflag:$0x1] =	stream.indirect.gather [hbm4b:s4+s28], $0x80, s30, s28, $0xb8;
	[tilespmem:$0x1C400] =	vst v63  }
0xd0: {  	_ =	swait.ge [sflag:s10], $0x4000  }
0xd1: {  	[sflag:s10] =	ssyncset.done $0x0  }
0xd2: {  	[sflag:s10] =	ssyncadd.s32 $0xFFFFC000  }
0xd3: {  	_ =	swait.ge [sflag:s20], $0x4000  }
0xd4: {  	[sflag:s20] =	ssyncset.done $0x0  }
0xd5: {  	[sflag:s20] =	ssyncadd.s32 $0xFFFFC000  }
0xd6: {  	[spmem:s1] =	stream.indirect.scatter.add.f32 [tilespmem:s24], [sflag:$0x3], $0x80, s31, s28, $0xb8;
	[tilespmem:$0x1C400] =	vst v63  }
0xd7: {  	_ =	swait.ge [sflag:s21], $0x80  }
0xd8: {  	[sflag:s21] =	ssyncset.done $0x0  }
0xd9: {  	[sflag:s21] =	ssyncadd.s32 $0xFFFFFF80  }
0xda: {  	_ =	swait.ge [sflag:s22], $0x80  }
0xdb: {  	[sflag:s22] =	ssyncset.done $0x0  }
0xdc: {  	[sflag:s22] =	ssyncadd.s32 $0xFFFFFF80  }
0xdd: {  	[tilespmem:s13], [sflag:$0x2] =	stream.indirect.gather [hbm4b:s4+s28], $0x80, s14, s28, $0xb8;
	[tilespmem:$0x1C400] =	vst v63  }
0xde: {  	_ =	swait.ge [sflag:s16], $0x4000  }
0xdf: {  	[sflag:s16] =	ssyncset.done $0x0  }
0xe0: {  	[sflag:s16] =	ssyncadd.s32 $0xFFFFC000  }
0xe1: {  	_ =	swait.ge [sflag:s17], $0x4000  }
0xe2: {  	[sflag:s17] =	ssyncset.done $0x0  }
0xe3: {  	[sflag:s17] =	ssyncadd.s32 $0xFFFFC000  }
0xe4: {  	[spmem:s1] =	stream.indirect.scatter.add.f32 [tilespmem:s13], [sflag:$0x4], $0x80, s15, s28, $0xb8;
	[tilespmem:$0x1C400] =	vst v63  }
0xe5: {  	_ =	swait.ge [sflag:s20], $0x4000  }
0xe6: {  	[sflag:s20] =	ssyncset.done $0x0  }
0xe7: {  	s5 =	stileid.u32;
	[sflag:s20] =	ssyncadd.s32 $0xFFFFC000  }
0xe8: {  	s7 =	smov.u32 s8;
	s5 =	sshll.u32 s5, $0x6;
	[bflag:$0x0] =	sbarrier.arrive $0xFFFF  }
0xe9: {  	s6 =	sshrl.u32 s8, $0x3;
	s5 =	sor.u32 $0x1C0D, s5;
	s8 =	rddreg [dreg:$0x14]  }
0xea: {  	[hbm:s8], [sflag:s5] =	dma.local [spmem:s6], $0x800  }
0xeb: {  	_ =	swait.ge [sflag:s25], $0x800  }
0xec: {  	[sflag:s25] =	ssyncset.done $0x0;
	s8 =	rddreg [dreg:$0xd]  }
0xed: {  	[sflag:s25] =	ssyncadd.s32 $0xFFFFF800;
	s6 =	sshrl.u32 s8, $0x3;
	s8 =	rddreg [dreg:$0x15]  }
0xee: {  	[hbm:s8], [sflag:s5] =	dma.local [spmem:s6], $0x800  }
0xef: {  	_ =	swait.ge [sflag:s25], $0x800  }
0xf0: {  	[sflag:s25] =	ssyncset.done $0x0;
	s8 =	rddreg [dreg:$0xe]  }
0xf1: {  	[sflag:s25] =	ssyncadd.s32 $0xFFFFF800;
	s6 =	sshrl.u32 s8, $0x3;
	s8 =	rddreg [dreg:$0x16]  }
0xf2: {  	[hbm:s8], [sflag:s5] =	dma.local [spmem:s6], $0x800  }
0xf3: {  	_ =	swait.ge [sflag:s25], $0x800  }
0xf4: {  	[sflag:s25] =	ssyncset.done $0x0;
	s8 =	rddreg [dreg:$0xf]  }
0xf5: {  	[sflag:s25] =	ssyncadd.s32 $0xFFFFF800;
	s6 =	sshrl.u32 s8, $0x3;
	s8 =	rddreg [dreg:$0x17]  }
0xf6: {  	[hbm:s8], [sflag:s5] =	dma.local [spmem:s6], $0x800  }
0xf7: {  	_ =	swait.ge [sflag:s25], $0x800  }
0xf8: {  	[sflag:s25] =	ssyncset.done $0x0  }
0xf9: {  	s6 =	sshrl.u32 s9, $0x3;
	s8 =	rddreg [dreg:$0x18];
	[sflag:s25] =	ssyncadd.s32 $0xFFFFF800  }
0xfa: {  	[hbm:s8], [sflag:s5] =	dma.local [spmem:s6], $0x800  }
0xfb: {  	_ =	swait.ge [sflag:s25], $0x800  }
0xfc: {  	s23 =	sadd.s32 $0x1, s23;
	s8 =	rddreg [dreg:$0x1d]  }
0xfd: {  	p0 =	sne.s32 s23, s8  }
.Ltmp2:
0xfe: {  	_ = 	snop;
	(pc) =	sbr.rel @p0 .LBB2_1-.Ltmp2, $3  }
0xff: {  	_ =	sdelay $0x1  }
0x100: {  	[sflag:s25] =	ssyncset.done $0x0  }
0x101: {  	[sflag:s25] =	ssyncadd.s32 $0xFFFFF800  }
0x102: {  	_ =	sfence.sel $0x180000  }
0x103: {  	[bflag:$0x0] =	sbarrier.arrive $0xFFFF  }
0x104: {  	_ =	strace $0x9000004A  }
0x105: {  	s0 =	stileid.u32;
	[bflag:$0x2] =	sbarrier.arrive $0xFFFF  }
0x106: {  	p0 =	sne.s32 s0, $0x0;
	s0 =	rddreg [dreg:$0x3]  }
0x107: {  	s0 =	sadd.s32 @!p0 $0x100000, s0  }
0x108: {  	[sflag:s0] =	ssyncadd.tile.s32 @!p0 $0x1;
	_ =	shalt  }
.Lfunc_end2:
_tile_overlayer_lowered:
.L_overlay_start_2:
0x109: {  	(tag) =	ssettag $0x2  }
0x10a: {  	s0 =	rddreg [dreg:$0x0];
	s2 =	stileid.u32  }
0x10b: {  	s1 =	rddreg [dreg:$0x1];
	p0 =	sne.s32 s2, $0x0  }
0x10c: {  	s3 =	rddreg [dreg:$0x2];
	[bflag:$0x3] =	sbarrier.arrive $0xFFFF;
	s2 =	simm.s32 @!p0 $0x1C0D  }
0x10d: {  	[timem:s3], [sflag:s2] =	dma.local @!p0 [hbm:s0], s1  }
0x10e: {  	s0 =	simm.s32 @!p0 $0xD  }
0x10f: {  	_ =	swait.ge @!p0 [sflag:s0], s1  }
0x110: {  	s1 =	ssub.s32 @!p0 $0x0, s1;
	[sflag:s0] =	ssyncset.done @!p0 $0x0  }
0x111: {  	[sflag:s0] =	ssyncadd.s32 @!p0 s1  }
0x112: {  	[bflag:$0x3] =	sbarrier.arrive $0xFFFF  }
0x113: {  	_ =	shalt  }

</sc_bundles>
